<compile_context>
chip_gen: v7x
topology: tpu7x:2x2x1
jax: 0.10.2.dev20260603
libtpu: 0.0.44.dev20260713+nightly
codegen_flags: <defaults>
</compile_context>

<pallas_src>
import functools

import jax
import jax.numpy as jnp
from jax import lax
from jax.experimental import pallas as pl
from jax.experimental.pallas import tpu as pltpu
from jax.experimental.pallas import tpu_sc as plsc

N = 10000
D = 128
K = 8
KP = 16
E = 320000

NC = 2
NS = 16
NW = NC * NS
EPW = E // NW
CHUNK = 1000
MCH = EPW // CHUNK
NP = 10240
RPS = NP // NS


def _stage_a_body(x_ref, mt_ref, w_ref, v_ref, q_ref):
    u = lax.dot_general(w_ref[...], v_ref[...], (((2,), (1,)), ((0,), (0,))),
                        preferred_element_type=jnp.float32)
    up = jnp.concatenate([u, jnp.zeros((KP - K, D), jnp.float32)], axis=0)
    q = lax.dot_general(x_ref[...], up, (((1,), (1,)), ((), ())),
                        preferred_element_type=jnp.float32)
    m = lax.transpose(mt_ref[...], (1, 0))
    mp = jnp.concatenate([m, jnp.zeros((N, KP - K), jnp.float32)], axis=1)
    q_ref[...] = jnp.concatenate(
        [q * mp, jnp.zeros((NP - N, KP), jnp.float32)], axis=0)


_stage_a = pl.pallas_call(
    _stage_a_body,
    out_shape=jax.ShapeDtypeStruct((NP, KP), jnp.float32),
)


def _sc_body(q_hbm, ei_hbm, zq_hbm, out_hbm, idxa, idxb, rowsa, rowsb,
             stage_v, acc_sh, qtab_sh, semia, semib, semga, semgb):
    c = lax.axis_index("c")
    s = lax.axis_index("s")
    wid = s * NC + c

    row0 = pl.multiple_of(s * RPS, RPS)
    pltpu.sync_copy(q_hbm.at[pl.ds(row0, RPS)], stage_v)
    pltpu.sync_copy(stage_v, qtab_sh.at[pl.ds(row0, RPS)])
    pltpu.sync_copy(zq_hbm.at[pl.ds(row0, RPS)], stage_v)
    pltpu.sync_copy(stage_v, acc_sh.at[pl.ds(row0, RPS)])
    plsc.subcore_barrier()

    eb0 = pl.multiple_of(wid * EPW, 8)

    def i_copy(ci, idx_v, sem):
        off = pl.multiple_of(eb0 + ci * CHUNK, 8)
        return pltpu.make_async_copy(ei_hbm.at[:, pl.ds(off, CHUNK)],
                                     idx_v, sem)

    def g_copy(idx_v, rows_v, sem):
        return pltpu.make_async_copy(qtab_sh.at[idx_v.at[0]], rows_v, sem)

    def s_add(idx_v, rows_v):
        pltpu.sync_copy(rows_v, acc_sh.at[idx_v.at[1]], add=True)

    i_copy(0, idxa, semia).start()
    i_copy(1, idxb, semib).start()
    i_copy(0, idxa, semia).wait()
    g_copy(idxa, rowsa, semga).start()

    def body(t, carry):
        a = 2 * t
        i_copy(a + 1, idxb, semib).wait()
        g_copy(idxb, rowsb, semgb).start()
        g_copy(idxa, rowsa, semga).wait()
        s_add(idxa, rowsa)
        i_copy(a + 2, idxa, semia).start()
        g_copy(idxb, rowsb, semgb).wait()
        s_add(idxb, rowsb)
        i_copy(a + 3, idxb, semib).start()
        i_copy(a + 2, idxa, semia).wait()
        g_copy(idxa, rowsa, semga).start()
        return carry

    lax.fori_loop(0, MCH // 2 - 1, body, 0, unroll=False)

    i_copy(MCH - 1, idxb, semib).wait()
    g_copy(idxb, rowsb, semgb).start()
    g_copy(idxa, rowsa, semga).wait()
    s_add(idxa, rowsa)
    g_copy(idxb, rowsb, semgb).wait()
    s_add(idxb, rowsb)

    plsc.subcore_barrier()
    pltpu.sync_copy(acc_sh.at[pl.ds(row0, RPS)], stage_v)
    pltpu.sync_copy(stage_v, out_hbm.at[c, pl.ds(row0, RPS)])


@functools.cache
def _sc_segsum():
    return pl.kernel(
        _sc_body,
        out_type=jax.ShapeDtypeStruct((NC, NP, KP), jnp.float32),
        mesh=plsc.VectorSubcoreMesh(core_axis_name="c", subcore_axis_name="s",
                                    num_cores=NC, num_subcores=NS),
        scratch_types=[
            pltpu.VMEM((2, CHUNK), jnp.int32),
            pltpu.VMEM((2, CHUNK), jnp.int32),
            pltpu.VMEM((CHUNK, KP), jnp.float32),
            pltpu.VMEM((CHUNK, KP), jnp.float32),
            pltpu.VMEM((RPS, KP), jnp.float32),
            pltpu.VMEM_SHARED((NP, KP), jnp.float32),
            pltpu.VMEM_SHARED((NP, KP), jnp.float32),
            pltpu.SemaphoreType.DMA,
            pltpu.SemaphoreType.DMA,
            pltpu.SemaphoreType.DMA,
            pltpu.SemaphoreType.DMA,
        ],
        compiler_params=pltpu.CompilerParams(use_tc_tiling_on_sc=False),
    )


def _stage_b_body(x_ref, mt_ref, zp_ref, b_ref, out_ref):
    z = zp_ref[0, :N] + zp_ref[1, :N]
    w = jax.nn.sigmoid(z)
    m = lax.transpose(mt_ref[...], (1, 0))
    mp = jnp.concatenate([m, jnp.zeros((N, KP - K), jnp.float32)], axis=1)
    cw = mp * w
    xb = x_ref[...]
    num = lax.dot_general(xb, cw, (((0,), (0,)), ((), ())),
                          preferred_element_type=jnp.float32)
    ws = jnp.sum(w, axis=0, keepdims=True)
    ctr = num / (ws + 1e-8)
    cn2 = jnp.sum(ctr * ctr, axis=0, keepdims=True)
    xc = jnp.dot(xb, ctr, preferred_element_type=jnp.float32)
    sq = jnp.sum(xb * xb, axis=1, keepdims=True)
    bp = jnp.concatenate(
        [b_ref[...], jnp.full((1, KP - K), -jnp.inf, jnp.float32)], axis=1)
    score = 2.0 * xc - sq - cn2 + bp
    h = score > 0.0
    hf = h.astype(jnp.float32)
    ii = lax.broadcasted_iota(jnp.int32, (KP, KP), 0)
    jj = lax.broadcasted_iota(jnp.int32, (KP, KP), 1)
    tri = (ii <= jj).astype(jnp.float32)
    cnt = jnp.dot(hf, tri, preferred_element_type=jnp.float32)
    res = jnp.where(h & (cnt <= 2.0), 1.0, 0.0)
    out_ref[...] = lax.transpose(res[:, :K], (1, 0))


_stage_b = pl.pallas_call(
    _stage_b_body,
    out_shape=jax.ShapeDtypeStruct((K, N), jnp.float32),
)


def kernel(x, edge_index, mask, W, v, b):
    zq = jnp.zeros((NP, KP), jnp.float32)
    mt = mask.T
    q = _stage_a(x, mt, W, v)
    zparts = _sc_segsum()(q, edge_index, zq)
    outt = _stage_b(x, mt, zparts, b.reshape(1, K))
    return outt.T

# --- scband reference (transcript-rebuilt; emitter-appended) ---
"""Pipeline reference for scband-kmeans-hrminner-module-62852551410250 (READ-ONLY COPY).

The authoritative reference and input builder live on the scoring server;
editing this copy changes nothing except your own understanding.
"""

import jax, jax.numpy as jnp
import numpy as np

N = 10000
D = 128
K = 8
E = 320000
MAX_OVERLAP = 2
THRESH = 1e-08


def setup_inputs(seed: int = 0) -> dict:
    key = jax.random.key(seed)
    ks = jax.random.split(key, 6)
    x = jax.random.normal(ks[0], (N, D), dtype=jnp.float32)
    edge_index = jax.random.randint(ks[1], (2, E), 0, N, dtype=jnp.int32)
    mask = jax.random.uniform(ks[2], (N, K), dtype=jnp.float32)
    # learned parameters for the k KMeansHead modules
    W = jax.random.normal(ks[3], (K, D, D), dtype=jnp.float32) * 0.05  # weighting_module GNN weights
    v = jax.random.normal(ks[4], (K, D), dtype=jnp.float32) * 0.1      # weighting projection
    b = jax.random.normal(ks[5], (K,), dtype=jnp.float32)              # mask_module bias
    return {"x": x, "edge_index": edge_index, "mask": mask, "W": W, "v": v, "b": b}


def reference(x, edge_index, mask, W, v, b):
    src = edge_index[0]
    dst = edge_index[1]
    head_results = []
    for i in range(K):
        # KMeansCarry.masked_x(i)
        xm = x * mask[:, i:i + 1]
        # weighting_module: message passing (gather src feats, transform, scatter-add to dst)
        msgs = jnp.take(xm, src, axis=0) @ W[i]
        agg = jax.ops.segment_sum(msgs, dst, num_segments=N)
        w = jax.nn.sigmoid(agg @ v[i])  # per-node weighting
        # center_module: weighted mean of masked node features
        center = jnp.sum(xm * w[:, None], axis=0) / (jnp.sum(w) + 1e-8)
        # mask_module: negative squared distance to center + bias
        score = -jnp.sum((x - center[None, :]) ** 2, axis=1) + b[i]
        # head: act (tanh) then torch.gt(..., 0) -> bool
        head_results.append(jnp.tanh(score) > 0)
    # KMeans.forward: stack head masks, threshold, norm-weighted top-k overlap selection
    mask_tensor = jnp.stack(head_results, axis=-1).astype(jnp.float32)  # [N, K]
    above_thresh = mask_tensor > THRESH
    norms = jnp.linalg.norm(x, axis=1, keepdims=True)  # [N, 1]
    masked_weights = jnp.where(above_thresh, jnp.broadcast_to(norms, (N, K)), -jnp.inf)
    top_vals, top_idx = jax.lax.top_k(masked_weights, MAX_OVERLAP)
    valid = jnp.isfinite(top_vals)
    rows = jnp.broadcast_to(jnp.arange(N)[:, None], top_idx.shape)
    final_mask = jnp.zeros((N, K), dtype=jnp.float32).at[rows, top_idx].add(valid.astype(jnp.float32))
    return final_mask

if __name__ == "__main__":
    import jax
    _d = setup_inputs()
    print(jax.jit(kernel)(*tuple(_d.values())))

</pallas_src>

<mosaic_0001>
#map = affine_map<(d0, d1) -> (0, 0)>
#map1 = affine_map<(d0, d1) -> (0, 0, 0)>
module attributes {stable_mosaic.version = 14 : i64} {
  func.func @_sc_body(%arg0: i32, %arg1: i32, %arg2: memref<10240x16xf32, #tpu.memory_space<hbm>>, %arg3: memref<2x320000xi32, #tpu.memory_space<hbm>>, %arg4: memref<10240x16xf32, #tpu.memory_space<hbm>>, %arg5: memref<2x10240x16xf32, #tpu.memory_space<hbm>>, %arg6: memref<2x1000xi32, #tpu.memory_space<vmem>>, %arg7: memref<2x1000xi32, #tpu.memory_space<vmem>>, %arg8: memref<1000x16xf32, #tpu.memory_space<vmem>>, %arg9: memref<1000x16xf32, #tpu.memory_space<vmem>>, %arg10: memref<640x16xf32, #tpu.memory_space<vmem>>, %arg11: memref<10240x16xf32, #tpu.memory_space<vmem_shared>>, %arg12: memref<10240x16xf32, #tpu.memory_space<vmem_shared>>, %arg13: memref<!tpu.dma_semaphore, #tpu.memory_space<semaphore_mem>>, %arg14: memref<!tpu.dma_semaphore, #tpu.memory_space<semaphore_mem>>, %arg15: memref<!tpu.dma_semaphore, #tpu.memory_space<semaphore_mem>>, %arg16: memref<!tpu.dma_semaphore, #tpu.memory_space<semaphore_mem>>) attributes {dimension_semantics = [#tpu.dimension_semantics<core_parallel>, #tpu.dimension_semantics<subcore_parallel>], iteration_bounds = array<i64: 2, 16>, scalar_prefetch = 0 : i64, scratch_operands = 11 : i64, tpu.core_type = #tpu.core_type<sc_vector_subcore>, window_params = [{transform_indices = #map}, {transform_indices = #map}, {transform_indices = #map}, {transform_indices = #map1}]} {
    %mul3A = arith.constant 2 : i32
    %mul3A_0 = arith.muli %arg1, %mul3A : i32
    %add3A = arith.addi %mul3A_0, %arg0 : i32
    %mul3A_1 = arith.constant 640 : i32
    %mul3A_2 = arith.muli %arg1, %mul3A_1 : i32
    %multiple_of3A = tpu.assume_multiple %mul3A_2, 640 : i32
    "tpu.region"() ({
      %run_scoped3A_67 = tpu.sem_alloc : memref<!tpu.dma_semaphore, #tpu.memory_space<semaphore_mem>>
      %dma_start3A_68 = arith.constant 0 : i32
      %dma_start3A_69 = tpu.memref_slice %arg2[%multiple_of3A, %dma_start3A_68] : memref<10240x16xf32, #tpu.memory_space<hbm>> -> memref<640x16xf32, #tpu.memory_space<hbm>>
      %dma_start3A_70 = arith.constant 0 : i32
      %dma_start3A_71 = tpu.memref_slice %arg2[%multiple_of3A, %dma_start3A_70] : memref<10240x16xf32, #tpu.memory_space<hbm>> -> memref<640x16xf32, #tpu.memory_space<hbm>>
      tpu.enqueue_dma source(%dma_start3A_71 : memref<640x16xf32, #tpu.memory_space<hbm>>) target(%arg10 : memref<640x16xf32, #tpu.memory_space<vmem>>) target_semaphore(%run_scoped3A_67 : memref<!tpu.dma_semaphore, #tpu.memory_space<semaphore_mem>>)
      %dma_wait3A_72 = arith.constant 0 : i32
      %dma_wait3A_73 = tpu.memref_slice %arg2[%multiple_of3A, %dma_wait3A_72] : memref<10240x16xf32, #tpu.memory_space<hbm>> -> memref<640x16xf32, #tpu.memory_space<hbm>>
      %dma_wait3A_74 = arith.constant 0 : i32
      %dma_wait3A_75 = tpu.memref_slice %arg2[%multiple_of3A, %dma_wait3A_74] : memref<10240x16xf32, #tpu.memory_space<hbm>> -> memref<640x16xf32, #tpu.memory_space<hbm>>
      tpu.wait_dma2 semaphore(%run_scoped3A_67 : memref<!tpu.dma_semaphore, #tpu.memory_space<semaphore_mem>>) src(%dma_wait3A_75 : memref<640x16xf32, #tpu.memory_space<hbm>>) dst(%arg10 : memref<640x16xf32, #tpu.memory_space<vmem>>)
      tpu.yield
    }) : () -> ()
    "tpu.region"() ({
      %run_scoped3A_67 = tpu.sem_alloc : memref<!tpu.dma_semaphore, #tpu.memory_space<semaphore_mem>>
      %dma_start3A_68 = arith.constant 0 : i32
      %dma_start3A_69 = tpu.memref_slice %arg12[%multiple_of3A, %dma_start3A_68] : memref<10240x16xf32, #tpu.memory_space<vmem_shared>> -> memref<640x16xf32, #tpu.memory_space<vmem_shared>>
      %dma_start3A_70 = arith.constant 0 : i32
      %dma_start3A_71 = tpu.memref_slice %arg12[%multiple_of3A, %dma_start3A_70] : memref<10240x16xf32, #tpu.memory_space<vmem_shared>> -> memref<640x16xf32, #tpu.memory_space<vmem_shared>>
      tpu.enqueue_dma source(%arg10 : memref<640x16xf32, #tpu.memory_space<vmem>>) target(%dma_start3A_71 : memref<640x16xf32, #tpu.memory_space<vmem_shared>>) target_semaphore(%run_scoped3A_67 : memref<!tpu.dma_semaphore, #tpu.memory_space<semaphore_mem>>)
      %dma_wait3A_72 = arith.constant 0 : i32
      %dma_wait3A_73 = tpu.memref_slice %arg12[%multiple_of3A, %dma_wait3A_72] : memref<10240x16xf32, #tpu.memory_space<vmem_shared>> -> memref<640x16xf32, #tpu.memory_space<vmem_shared>>
      %dma_wait3A_74 = arith.constant 0 : i32
      %dma_wait3A_75 = tpu.memref_slice %arg12[%multiple_of3A, %dma_wait3A_74] : memref<10240x16xf32, #tpu.memory_space<vmem_shared>> -> memref<640x16xf32, #tpu.memory_space<vmem_shared>>
      tpu.wait_dma2 semaphore(%run_scoped3A_67 : memref<!tpu.dma_semaphore, #tpu.memory_space<semaphore_mem>>) src(%arg10 : memref<640x16xf32, #tpu.memory_space<vmem>>) dst(%dma_wait3A_75 : memref<640x16xf32, #tpu.memory_space<vmem_shared>>)
      tpu.yield
    }) : () -> ()
    "tpu.region"() ({
      %run_scoped3A_67 = tpu.sem_alloc : memref<!tpu.dma_semaphore, #tpu.memory_space<semaphore_mem>>
      %dma_start3A_68 = arith.constant 0 : i32
      %dma_start3A_69 = tpu.memref_slice %arg4[%multiple_of3A, %dma_start3A_68] : memref<10240x16xf32, #tpu.memory_space<hbm>> -> memref<640x16xf32, #tpu.memory_space<hbm>>
      %dma_start3A_70 = arith.constant 0 : i32
      %dma_start3A_71 = tpu.memref_slice %arg4[%multiple_of3A, %dma_start3A_70] : memref<10240x16xf32, #tpu.memory_space<hbm>> -> memref<640x16xf32, #tpu.memory_space<hbm>>
      tpu.enqueue_dma source(%dma_start3A_71 : memref<640x16xf32, #tpu.memory_space<hbm>>) target(%arg10 : memref<640x16xf32, #tpu.memory_space<vmem>>) target_semaphore(%run_scoped3A_67 : memref<!tpu.dma_semaphore, #tpu.memory_space<semaphore_mem>>)
      %dma_wait3A_72 = arith.constant 0 : i32
      %dma_wait3A_73 = tpu.memref_slice %arg4[%multiple_of3A, %dma_wait3A_72] : memref<10240x16xf32, #tpu.memory_space<hbm>> -> memref<640x16xf32, #tpu.memory_space<hbm>>
      %dma_wait3A_74 = arith.constant 0 : i32
      %dma_wait3A_75 = tpu.memref_slice %arg4[%multiple_of3A, %dma_wait3A_74] : memref<10240x16xf32, #tpu.memory_space<hbm>> -> memref<640x16xf32, #tpu.memory_space<hbm>>
      tpu.wait_dma2 semaphore(%run_scoped3A_67 : memref<!tpu.dma_semaphore, #tpu.memory_space<semaphore_mem>>) src(%dma_wait3A_75 : memref<640x16xf32, #tpu.memory_space<hbm>>) dst(%arg10 : memref<640x16xf32, #tpu.memory_space<vmem>>)
      tpu.yield
    }) : () -> ()
    "tpu.region"() ({
      %run_scoped3A_67 = tpu.sem_alloc : memref<!tpu.dma_semaphore, #tpu.memory_space<semaphore_mem>>
      %dma_start3A_68 = arith.constant 0 : i32
      %dma_start3A_69 = tpu.memref_slice %arg11[%multiple_of3A, %dma_start3A_68] : memref<10240x16xf32, #tpu.memory_space<vmem_shared>> -> memref<640x16xf32, #tpu.memory_space<vmem_shared>>
      %dma_start3A_70 = arith.constant 0 : i32
      %dma_start3A_71 = tpu.memref_slice %arg11[%multiple_of3A, %dma_start3A_70] : memref<10240x16xf32, #tpu.memory_space<vmem_shared>> -> memref<640x16xf32, #tpu.memory_space<vmem_shared>>
      tpu.enqueue_dma source(%arg10 : memref<640x16xf32, #tpu.memory_space<vmem>>) target(%dma_start3A_71 : memref<640x16xf32, #tpu.memory_space<vmem_shared>>) target_semaphore(%run_scoped3A_67 : memref<!tpu.dma_semaphore, #tpu.memory_space<semaphore_mem>>)
      %dma_wait3A_72 = arith.constant 0 : i32
      %dma_wait3A_73 = tpu.memref_slice %arg11[%multiple_of3A, %dma_wait3A_72] : memref<10240x16xf32, #tpu.memory_space<vmem_shared>> -> memref<640x16xf32, #tpu.memory_space<vmem_shared>>
      %dma_wait3A_74 = arith.constant 0 : i32
      %dma_wait3A_75 = tpu.memref_slice %arg11[%multiple_of3A, %dma_wait3A_74] : memref<10240x16xf32, #tpu.memory_space<vmem_shared>> -> memref<640x16xf32, #tpu.memory_space<vmem_shared>>
      tpu.wait_dma2 semaphore(%run_scoped3A_67 : memref<!tpu.dma_semaphore, #tpu.memory_space<semaphore_mem>>) src(%arg10 : memref<640x16xf32, #tpu.memory_space<vmem>>) dst(%dma_wait3A_75 : memref<640x16xf32, #tpu.memory_space<vmem_shared>>)
      tpu.yield
    }) : () -> ()
    %barrier3A = arith.constant 0 : index
    tpu.barrier barrier_id(%barrier3A)
    %mul3A_3 = arith.constant 10000 : i32
    %mul3A_4 = arith.muli %add3A, %mul3A_3 : i32
    %multiple_of3A_5 = tpu.assume_multiple %mul3A_4, 8 : i32
    %add3A_6 = arith.constant 0 : i32
    %add3A_7 = arith.addi %multiple_of3A_5, %add3A_6 : i32
    %multiple_of3A_8 = tpu.assume_multiple %add3A_7, 8 : i32
    %dma_start3A = arith.constant 0 : i32
    %dma_start3A_9 = tpu.memref_slice %arg3[%dma_start3A, %multiple_of3A_8] : memref<2x320000xi32, #tpu.memory_space<hbm>> -> memref<2x1000xi32, #tpu.memory_space<hbm>>
    %dma_start3A_10 = arith.constant 0 : i32
    %dma_start3A_11 = tpu.memref_slice %arg3[%dma_start3A_10, %multiple_of3A_8] : memref<2x320000xi32, #tpu.memory_space<hbm>> -> memref<2x1000xi32, #tpu.memory_space<hbm>>
    tpu.enqueue_dma source(%dma_start3A_11 : memref<2x1000xi32, #tpu.memory_space<hbm>>) target(%arg6 : memref<2x1000xi32, #tpu.memory_space<vmem>>) target_semaphore(%arg13 : memref<!tpu.dma_semaphore, #tpu.memory_space<semaphore_mem>>)
    %add3A_12 = arith.constant 1000 : i32
    %add3A_13 = arith.addi %multiple_of3A_5, %add3A_12 : i32
    %multiple_of3A_14 = tpu.assume_multiple %add3A_13, 8 : i32
    %dma_start3A_15 = arith.constant 0 : i32
    %dma_start3A_16 = tpu.memref_slice %arg3[%dma_start3A_15, %multiple_of3A_14] : memref<2x320000xi32, #tpu.memory_space<hbm>> -> memref<2x1000xi32, #tpu.memory_space<hbm>>
    %dma_start3A_17 = arith.constant 0 : i32
    %dma_start3A_18 = tpu.memref_slice %arg3[%dma_start3A_17, %multiple_of3A_14] : memref<2x320000xi32, #tpu.memory_space<hbm>> -> memref<2x1000xi32, #tpu.memory_space<hbm>>
    tpu.enqueue_dma source(%dma_start3A_18 : memref<2x1000xi32, #tpu.memory_space<hbm>>) target(%arg7 : memref<2x1000xi32, #tpu.memory_space<vmem>>) target_semaphore(%arg14 : memref<!tpu.dma_semaphore, #tpu.memory_space<semaphore_mem>>)
    %add3A_19 = arith.constant 0 : i32
    %add3A_20 = arith.addi %multiple_of3A_5, %add3A_19 : i32
    %multiple_of3A_21 = tpu.assume_multiple %add3A_20, 8 : i32
    %dma_wait3A = arith.constant 0 : i32
    %dma_wait3A_22 = tpu.memref_slice %arg3[%dma_wait3A, %multiple_of3A_21] : memref<2x320000xi32, #tpu.memory_space<hbm>> -> memref<2x1000xi32, #tpu.memory_space<hbm>>
    %dma_wait3A_23 = arith.constant 0 : i32
    %dma_wait3A_24 = tpu.memref_slice %arg3[%dma_wait3A_23, %multiple_of3A_21] : memref<2x320000xi32, #tpu.memory_space<hbm>> -> memref<2x1000xi32, #tpu.memory_space<hbm>>
    tpu.wait_dma2 semaphore(%arg13 : memref<!tpu.dma_semaphore, #tpu.memory_space<semaphore_mem>>) src(%dma_wait3A_24 : memref<2x1000xi32, #tpu.memory_space<hbm>>) dst(%arg6 : memref<2x1000xi32, #tpu.memory_space<vmem>>)
    %dma_start3A_25 = arith.constant 0 : i32
    %dma_start3A_26 = arith.constant 0 : i32
    %dma_start3A_27 = tpu.memref_slice %arg6[%dma_start3A_25, %dma_start3A_26] : memref<2x1000xi32, #tpu.memory_space<vmem>> -> memref<1x1000xi32, #tpu.memory_space<vmem>>
    %dma_start3A_28 = tpu.memref_squeeze %dma_start3A_27 : memref<1x1000xi32, #tpu.memory_space<vmem>> -> memref<1000xi32, #tpu.memory_space<vmem>>
    %dma_start3A_29 = arith.constant 0 : i32
    %dma_start3A_30 = arith.constant 0 : i32
    %dma_start3A_31 = tpu.memref_slice %arg12[%dma_start3A_29, %dma_start3A_30] : memref<10240x16xf32, #tpu.memory_space<vmem_shared>> -> memref<10240x16xf32, #tpu.memory_space<vmem_shared>>
    tpu.enqueue_indirect_dma source(%dma_start3A_31 : memref<10240x16xf32, #tpu.memory_space<vmem_shared>>) target(%arg8 : memref<1000x16xf32, #tpu.memory_space<vmem>>) offsets(%dma_start3A_28 : memref<1000xi32, #tpu.memory_space<vmem>>) semaphore(%arg15 : memref<!tpu.dma_semaphore, #tpu.memory_space<semaphore_mem>>)
    %scan3A = arith.constant 0 : i32
    %scan3A_32 = arith.constant 0 : i32
    %scan3A_33 = arith.constant 4 : i32
    %scan3A_34 = arith.addi %scan3A_32, %scan3A_33 : i32
    %scan3A_35 = arith.constant 1 : i32
    scf.for %scan3A_67 = %scan3A_32 to %scan3A_34 step %scan3A_35  : i32 {
      %mul3A_68 = arith.constant 2 : i32
      %mul3A_69 = arith.muli %mul3A_68, %scan3A_67 : i32
      %add3A_70 = arith.constant 1 : i32
      %add3A_71 = arith.addi %mul3A_69, %add3A_70 : i32
      %mul3A_72 = arith.constant 1000 : i32
      %mul3A_73 = arith.muli %add3A_71, %mul3A_72 : i32
      %add3A_74 = arith.addi %multiple_of3A_5, %mul3A_73 : i32
      %multiple_of3A_75 = tpu.assume_multiple %add3A_74, 8 : i32
      %dma_wait3A_76 = arith.constant 0 : i32
      %dma_wait3A_77 = tpu.memref_slice %arg3[%dma_wait3A_76, %multiple_of3A_75] : memref<2x320000xi32, #tpu.memory_space<hbm>> -> memref<2x1000xi32, #tpu.memory_space<hbm>>
      %dma_wait3A_78 = arith.constant 0 : i32
      %dma_wait3A_79 = tpu.memref_slice %arg3[%dma_wait3A_78, %multiple_of3A_75] : memref<2x320000xi32, #tpu.memory_space<hbm>> -> memref<2x1000xi32, #tpu.memory_space<hbm>>
      tpu.wait_dma2 semaphore(%arg14 : memref<!tpu.dma_semaphore, #tpu.memory_space<semaphore_mem>>) src(%dma_wait3A_79 : memref<2x1000xi32, #tpu.memory_space<hbm>>) dst(%arg7 : memref<2x1000xi32, #tpu.memory_space<vmem>>)
      %dma_start3A_80 = arith.constant 0 : i32
      %dma_start3A_81 = arith.constant 0 : i32
      %dma_start3A_82 = tpu.memref_slice %arg7[%dma_start3A_80, %dma_start3A_81] : memref<2x1000xi32, #tpu.memory_space<vmem>> -> memref<1x1000xi32, #tpu.memory_space<vmem>>
      %dma_start3A_83 = tpu.memref_squeeze %dma_start3A_82 : memref<1x1000xi32, #tpu.memory_space<vmem>> -> memref<1000xi32, #tpu.memory_space<vmem>>
      %dma_start3A_84 = arith.constant 0 : i32
      %dma_start3A_85 = arith.constant 0 : i32
      %dma_start3A_86 = tpu.memref_slice %arg12[%dma_start3A_84, %dma_start3A_85] : memref<10240x16xf32, #tpu.memory_space<vmem_shared>> -> memref<10240x16xf32, #tpu.memory_space<vmem_shared>>
      tpu.enqueue_indirect_dma source(%dma_start3A_86 : memref<10240x16xf32, #tpu.memory_space<vmem_shared>>) target(%arg9 : memref<1000x16xf32, #tpu.memory_space<vmem>>) offsets(%dma_start3A_83 : memref<1000xi32, #tpu.memory_space<vmem>>) semaphore(%arg16 : memref<!tpu.dma_semaphore, #tpu.memory_space<semaphore_mem>>)
      %dma_wait3A_87 = arith.constant 0 : i32
      %dma_wait3A_88 = arith.constant 0 : i32
      %dma_wait3A_89 = tpu.memref_slice %arg6[%dma_wait3A_87, %dma_wait3A_88] : memref<2x1000xi32, #tpu.memory_space<vmem>> -> memref<1x1000xi32, #tpu.memory_space<vmem>>
      %dma_wait3A_90 = tpu.memref_squeeze %dma_wait3A_89 : memref<1x1000xi32, #tpu.memory_space<vmem>> -> memref<1000xi32, #tpu.memory_space<vmem>>
      %dma_wait3A_91 = arith.constant 0 : i32
      %dma_wait3A_92 = arith.constant 0 : i32
      %dma_wait3A_93 = tpu.memref_slice %arg12[%dma_wait3A_91, %dma_wait3A_92] : memref<10240x16xf32, #tpu.memory_space<vmem_shared>> -> memref<10240x16xf32, #tpu.memory_space<vmem_shared>>
      tpu.wait_indirect_dma semaphore(%arg15 : memref<!tpu.dma_semaphore, #tpu.memory_space<semaphore_mem>>) src(%dma_wait3A_93 : memref<10240x16xf32, #tpu.memory_space<vmem_shared>>) dst(%arg8 : memref<1000x16xf32, #tpu.memory_space<vmem>>)
      %run_scoped3A_94 = arith.constant 1 : i32
      "tpu.region"() ({
        %run_scoped3A_140 = tpu.sem_alloc : memref<!tpu.dma_semaphore, #tpu.memory_space<semaphore_mem>>
        %dma_start3A_141 = arith.constant 0 : i32
        %dma_start3A_142 = tpu.memref_slice %arg6[%run_scoped3A_94, %dma_start3A_141] : memref<2x1000xi32, #tpu.memory_space<vmem>> -> memref<1x1000xi32, #tpu.memory_space<vmem>>
        %dma_start3A_143 = tpu.memref_squeeze %dma_start3A_142 : memref<1x1000xi32, #tpu.memory_space<vmem>> -> memref<1000xi32, #tpu.memory_space<vmem>>
        %dma_start3A_144 = arith.constant 0 : i32
        %dma_start3A_145 = arith.constant 0 : i32
        %dma_start3A_146 = tpu.memref_slice %arg11[%dma_start3A_144, %dma_start3A_145] : memref<10240x16xf32, #tpu.memory_space<vmem_shared>> -> memref<10240x16xf32, #tpu.memory_space<vmem_shared>>
        tpu.enqueue_indirect_dma source(%arg8 : memref<1000x16xf32, #tpu.memory_space<vmem>>) target(%dma_start3A_146 : memref<10240x16xf32, #tpu.memory_space<vmem_shared>>) offsets(%dma_start3A_143 : memref<1000xi32, #tpu.memory_space<vmem>>) semaphore(%run_scoped3A_140 : memref<!tpu.dma_semaphore, #tpu.memory_space<semaphore_mem>>) {add = true}
        %dma_wait3A_147 = arith.constant 0 : i32
        %dma_wait3A_148 = tpu.memref_slice %arg6[%run_scoped3A_94, %dma_wait3A_147] : memref<2x1000xi32, #tpu.memory_space<vmem>> -> memref<1x1000xi32, #tpu.memory_space<vmem>>
        %dma_wait3A_149 = tpu.memref_squeeze %dma_wait3A_148 : memref<1x1000xi32, #tpu.memory_space<vmem>> -> memref<1000xi32, #tpu.memory_space<vmem>>
        %dma_wait3A_150 = arith.constant 0 : i32
        %dma_wait3A_151 = arith.constant 0 : i32
        %dma_wait3A_152 = tpu.memref_slice %arg11[%dma_wait3A_150, %dma_wait3A_151] : memref<10240x16xf32, #tpu.memory_space<vmem_shared>> -> memref<10240x16xf32, #tpu.memory_space<vmem_shared>>
        tpu.wait_indirect_dma semaphore(%run_scoped3A_140 : memref<!tpu.dma_semaphore, #tpu.memory_space<semaphore_mem>>) src(%arg8 : memref<1000x16xf32, #tpu.memory_space<vmem>>) dst(%dma_wait3A_152 : memref<10240x16xf32, #tpu.memory_space<vmem_shared>>)
        tpu.yield
      }) : () -> ()
      %add3A_95 = arith.constant 2 : i32
      %add3A_96 = arith.addi %mul3A_69, %add3A_95 : i32
      %mul3A_97 = arith.constant 1000 : i32
      %mul3A_98 = arith.muli %add3A_96, %mul3A_97 : i32
      %add3A_99 = arith.addi %multiple_of3A_5, %mul3A_98 : i32
      %multiple_of3A_100 = tpu.assume_multiple %add3A_99, 8 : i32
      %dma_start3A_101 = arith.constant 0 : i32
      %dma_start3A_102 = tpu.memref_slice %arg3[%dma_start3A_101, %multiple_of3A_100] : memref<2x320000xi32, #tpu.memory_space<hbm>> -> memref<2x1000xi32, #tpu.memory_space<hbm>>
      %dma_start3A_103 = arith.constant 0 : i32
      %dma_start3A_104 = tpu.memref_slice %arg3[%dma_start3A_103, %multiple_of3A_100] : memref<2x320000xi32, #tpu.memory_space<hbm>> -> memref<2x1000xi32, #tpu.memory_space<hbm>>
      tpu.enqueue_dma source(%dma_start3A_104 : memref<2x1000xi32, #tpu.memory_space<hbm>>) target(%arg6 : memref<2x1000xi32, #tpu.memory_space<vmem>>) target_semaphore(%arg13 : memref<!tpu.dma_semaphore, #tpu.memory_space<semaphore_mem>>)
      %dma_wait3A_105 = arith.constant 0 : i32
      %dma_wait3A_106 = arith.constant 0 : i32
      %dma_wait3A_107 = tpu.memref_slice %arg7[%dma_wait3A_105, %dma_wait3A_106] : memref<2x1000xi32, #tpu.memory_space<vmem>> -> memref<1x1000xi32, #tpu.memory_space<vmem>>
      %dma_wait3A_108 = tpu.memref_squeeze %dma_wait3A_107 : memref<1x1000xi32, #tpu.memory_space<vmem>> -> memref<1000xi32, #tpu.memory_space<vmem>>
      %dma_wait3A_109 = arith.constant 0 : i32
      %dma_wait3A_110 = arith.constant 0 : i32
      %dma_wait3A_111 = tpu.memref_slice %arg12[%dma_wait3A_109, %dma_wait3A_110] : memref<10240x16xf32, #tpu.memory_space<vmem_shared>> -> memref<10240x16xf32, #tpu.memory_space<vmem_shared>>
      tpu.wait_indirect_dma semaphore(%arg16 : memref<!tpu.dma_semaphore, #tpu.memory_space<semaphore_mem>>) src(%dma_wait3A_111 : memref<10240x16xf32, #tpu.memory_space<vmem_shared>>) dst(%arg9 : memref<1000x16xf32, #tpu.memory_space<vmem>>)
      %run_scoped3A_112 = arith.constant 1 : i32
      "tpu.region"() ({
        %run_scoped3A_140 = tpu.sem_alloc : memref<!tpu.dma_semaphore, #tpu.memory_space<semaphore_mem>>
        %dma_start3A_141 = arith.constant 0 : i32
        %dma_start3A_142 = tpu.memref_slice %arg7[%run_scoped3A_112, %dma_start3A_141] : memref<2x1000xi32, #tpu.memory_space<vmem>> -> memref<1x1000xi32, #tpu.memory_space<vmem>>
        %dma_start3A_143 = tpu.memref_squeeze %dma_start3A_142 : memref<1x1000xi32, #tpu.memory_space<vmem>> -> memref<1000xi32, #tpu.memory_space<vmem>>
        %dma_start3A_144 = arith.constant 0 : i32
        %dma_start3A_145 = arith.constant 0 : i32
        %dma_start3A_146 = tpu.memref_slice %arg11[%dma_start3A_144, %dma_start3A_145] : memref<10240x16xf32, #tpu.memory_space<vmem_shared>> -> memref<10240x16xf32, #tpu.memory_space<vmem_shared>>
        tpu.enqueue_indirect_dma source(%arg9 : memref<1000x16xf32, #tpu.memory_space<vmem>>) target(%dma_start3A_146 : memref<10240x16xf32, #tpu.memory_space<vmem_shared>>) offsets(%dma_start3A_143 : memref<1000xi32, #tpu.memory_space<vmem>>) semaphore(%run_scoped3A_140 : memref<!tpu.dma_semaphore, #tpu.memory_space<semaphore_mem>>) {add = true}
        %dma_wait3A_147 = arith.constant 0 : i32
        %dma_wait3A_148 = tpu.memref_slice %arg7[%run_scoped3A_112, %dma_wait3A_147] : memref<2x1000xi32, #tpu.memory_space<vmem>> -> memref<1x1000xi32, #tpu.memory_space<vmem>>
        %dma_wait3A_149 = tpu.memref_squeeze %dma_wait3A_148 : memref<1x1000xi32, #tpu.memory_space<vmem>> -> memref<1000xi32, #tpu.memory_space<vmem>>
        %dma_wait3A_150 = arith.constant 0 : i32
        %dma_wait3A_151 = arith.constant 0 : i32
        %dma_wait3A_152 = tpu.memref_slice %arg11[%dma_wait3A_150, %dma_wait3A_151] : memref<10240x16xf32, #tpu.memory_space<vmem_shared>> -> memref<10240x16xf32, #tpu.memory_space<vmem_shared>>
        tpu.wait_indirect_dma semaphore(%run_scoped3A_140 : memref<!tpu.dma_semaphore, #tpu.memory_space<semaphore_mem>>) src(%arg9 : memref<1000x16xf32, #tpu.memory_space<vmem>>) dst(%dma_wait3A_152 : memref<10240x16xf32, #tpu.memory_space<vmem_shared>>)
        tpu.yield
      }) : () -> ()
      %add3A_113 = arith.constant 3 : i32
      %add3A_114 = arith.addi %mul3A_69, %add3A_113 : i32
      %mul3A_115 = arith.constant 1000 : i32
      %mul3A_116 = arith.muli %add3A_114, %mul3A_115 : i32
      %add3A_117 = arith.addi %multiple_of3A_5, %mul3A_116 : i32
      %multiple_of3A_118 = tpu.assume_multiple %add3A_117, 8 : i32
      %dma_start3A_119 = arith.constant 0 : i32
      %dma_start3A_120 = tpu.memref_slice %arg3[%dma_start3A_119, %multiple_of3A_118] : memref<2x320000xi32, #tpu.memory_space<hbm>> -> memref<2x1000xi32, #tpu.memory_space<hbm>>
      %dma_start3A_121 = arith.constant 0 : i32
      %dma_start3A_122 = tpu.memref_slice %arg3[%dma_start3A_121, %multiple_of3A_118] : memref<2x320000xi32, #tpu.memory_space<hbm>> -> memref<2x1000xi32, #tpu.memory_space<hbm>>
      tpu.enqueue_dma source(%dma_start3A_122 : memref<2x1000xi32, #tpu.memory_space<hbm>>) target(%arg7 : memref<2x1000xi32, #tpu.memory_space<vmem>>) target_semaphore(%arg14 : memref<!tpu.dma_semaphore, #tpu.memory_space<semaphore_mem>>)
      %add3A_123 = arith.constant 2 : i32
      %add3A_124 = arith.addi %mul3A_69, %add3A_123 : i32
      %mul3A_125 = arith.constant 1000 : i32
      %mul3A_126 = arith.muli %add3A_124, %mul3A_125 : i32
      %add3A_127 = arith.addi %multiple_of3A_5, %mul3A_126 : i32
      %multiple_of3A_128 = tpu.assume_multiple %add3A_127, 8 : i32
      %dma_wait3A_129 = arith.constant 0 : i32
      %dma_wait3A_130 = tpu.memref_slice %arg3[%dma_wait3A_129, %multiple_of3A_128] : memref<2x320000xi32, #tpu.memory_space<hbm>> -> memref<2x1000xi32, #tpu.memory_space<hbm>>
      %dma_wait3A_131 = arith.constant 0 : i32
      %dma_wait3A_132 = tpu.memref_slice %arg3[%dma_wait3A_131, %multiple_of3A_128] : memref<2x320000xi32, #tpu.memory_space<hbm>> -> memref<2x1000xi32, #tpu.memory_space<hbm>>
      tpu.wait_dma2 semaphore(%arg13 : memref<!tpu.dma_semaphore, #tpu.memory_space<semaphore_mem>>) src(%dma_wait3A_132 : memref<2x1000xi32, #tpu.memory_space<hbm>>) dst(%arg6 : memref<2x1000xi32, #tpu.memory_space<vmem>>)
      %dma_start3A_133 = arith.constant 0 : i32
      %dma_start3A_134 = arith.constant 0 : i32
      %dma_start3A_135 = tpu.memref_slice %arg6[%dma_start3A_133, %dma_start3A_134] : memref<2x1000xi32, #tpu.memory_space<vmem>> -> memref<1x1000xi32, #tpu.memory_space<vmem>>
      %dma_start3A_136 = tpu.memref_squeeze %dma_start3A_135 : memref<1x1000xi32, #tpu.memory_space<vmem>> -> memref<1000xi32, #tpu.memory_space<vmem>>
      %dma_start3A_137 = arith.constant 0 : i32
      %dma_start3A_138 = arith.constant 0 : i32
      %dma_start3A_139 = tpu.memref_slice %arg12[%dma_start3A_137, %dma_start3A_138] : memref<10240x16xf32, #tpu.memory_space<vmem_shared>> -> memref<10240x16xf32, #tpu.memory_space<vmem_shared>>
      tpu.enqueue_indirect_dma source(%dma_start3A_139 : memref<10240x16xf32, #tpu.memory_space<vmem_shared>>) target(%arg8 : memref<1000x16xf32, #tpu.memory_space<vmem>>) offsets(%dma_start3A_136 : memref<1000xi32, #tpu.memory_space<vmem>>) semaphore(%arg15 : memref<!tpu.dma_semaphore, #tpu.memory_space<semaphore_mem>>)
    }
    %scan3A_36 = arith.constant 4 : i32
    %add3A_37 = arith.constant 9000 : i32
    %add3A_38 = arith.addi %multiple_of3A_5, %add3A_37 : i32
    %multiple_of3A_39 = tpu.assume_multiple %add3A_38, 8 : i32
    %dma_wait3A_40 = arith.constant 0 : i32
    %dma_wait3A_41 = tpu.memref_slice %arg3[%dma_wait3A_40, %multiple_of3A_39] : memref<2x320000xi32, #tpu.memory_space<hbm>> -> memref<2x1000xi32, #tpu.memory_space<hbm>>
    %dma_wait3A_42 = arith.constant 0 : i32
    %dma_wait3A_43 = tpu.memref_slice %arg3[%dma_wait3A_42, %multiple_of3A_39] : memref<2x320000xi32, #tpu.memory_space<hbm>> -> memref<2x1000xi32, #tpu.memory_space<hbm>>
    tpu.wait_dma2 semaphore(%arg14 : memref<!tpu.dma_semaphore, #tpu.memory_space<semaphore_mem>>) src(%dma_wait3A_43 : memref<2x1000xi32, #tpu.memory_space<hbm>>) dst(%arg7 : memref<2x1000xi32, #tpu.memory_space<vmem>>)
    %dma_start3A_44 = arith.constant 0 : i32
    %dma_start3A_45 = arith.constant 0 : i32
    %dma_start3A_46 = tpu.memref_slice %arg7[%dma_start3A_44, %dma_start3A_45] : memref<2x1000xi32, #tpu.memory_space<vmem>> -> memref<1x1000xi32, #tpu.memory_space<vmem>>
    %dma_start3A_47 = tpu.memref_squeeze %dma_start3A_46 : memref<1x1000xi32, #tpu.memory_space<vmem>> -> memref<1000xi32, #tpu.memory_space<vmem>>
    %dma_start3A_48 = arith.constant 0 : i32
    %dma_start3A_49 = arith.constant 0 : i32
    %dma_start3A_50 = tpu.memref_slice %arg12[%dma_start3A_48, %dma_start3A_49] : memref<10240x16xf32, #tpu.memory_space<vmem_shared>> -> memref<10240x16xf32, #tpu.memory_space<vmem_shared>>
    tpu.enqueue_indirect_dma source(%dma_start3A_50 : memref<10240x16xf32, #tpu.memory_space<vmem_shared>>) target(%arg9 : memref<1000x16xf32, #tpu.memory_space<vmem>>) offsets(%dma_start3A_47 : memref<1000xi32, #tpu.memory_space<vmem>>) semaphore(%arg16 : memref<!tpu.dma_semaphore, #tpu.memory_space<semaphore_mem>>)
    %dma_wait3A_51 = arith.constant 0 : i32
    %dma_wait3A_52 = arith.constant 0 : i32
    %dma_wait3A_53 = tpu.memref_slice %arg6[%dma_wait3A_51, %dma_wait3A_52] : memref<2x1000xi32, #tpu.memory_space<vmem>> -> memref<1x1000xi32, #tpu.memory_space<vmem>>
    %dma_wait3A_54 = tpu.memref_squeeze %dma_wait3A_53 : memref<1x1000xi32, #tpu.memory_space<vmem>> -> memref<1000xi32, #tpu.memory_space<vmem>>
    %dma_wait3A_55 = arith.constant 0 : i32
    %dma_wait3A_56 = arith.constant 0 : i32
    %dma_wait3A_57 = tpu.memref_slice %arg12[%dma_wait3A_55, %dma_wait3A_56] : memref<10240x16xf32, #tpu.memory_space<vmem_shared>> -> memref<10240x16xf32, #tpu.memory_space<vmem_shared>>
    tpu.wait_indirect_dma semaphore(%arg15 : memref<!tpu.dma_semaphore, #tpu.memory_space<semaphore_mem>>) src(%dma_wait3A_57 : memref<10240x16xf32, #tpu.memory_space<vmem_shared>>) dst(%arg8 : memref<1000x16xf32, #tpu.memory_space<vmem>>)
    %run_scoped3A = arith.constant 1 : i32
    "tpu.region"() ({
      %run_scoped3A_67 = tpu.sem_alloc : memref<!tpu.dma_semaphore, #tpu.memory_space<semaphore_mem>>
      %dma_start3A_68 = arith.constant 0 : i32
      %dma_start3A_69 = tpu.memref_slice %arg6[%run_scoped3A, %dma_start3A_68] : memref<2x1000xi32, #tpu.memory_space<vmem>> -> memref<1x1000xi32, #tpu.memory_space<vmem>>
      %dma_start3A_70 = tpu.memref_squeeze %dma_start3A_69 : memref<1x1000xi32, #tpu.memory_space<vmem>> -> memref<1000xi32, #tpu.memory_space<vmem>>
      %dma_start3A_71 = arith.constant 0 : i32
      %dma_start3A_72 = arith.constant 0 : i32
      %dma_start3A_73 = tpu.memref_slice %arg11[%dma_start3A_71, %dma_start3A_72] : memref<10240x16xf32, #tpu.memory_space<vmem_shared>> -> memref<10240x16xf32, #tpu.memory_space<vmem_shared>>
      tpu.enqueue_indirect_dma source(%arg8 : memref<1000x16xf32, #tpu.memory_space<vmem>>) target(%dma_start3A_73 : memref<10240x16xf32, #tpu.memory_space<vmem_shared>>) offsets(%dma_start3A_70 : memref<1000xi32, #tpu.memory_space<vmem>>) semaphore(%run_scoped3A_67 : memref<!tpu.dma_semaphore, #tpu.memory_space<semaphore_mem>>) {add = true}
      %dma_wait3A_74 = arith.constant 0 : i32
      %dma_wait3A_75 = tpu.memref_slice %arg6[%run_scoped3A, %dma_wait3A_74] : memref<2x1000xi32, #tpu.memory_space<vmem>> -> memref<1x1000xi32, #tpu.memory_space<vmem>>
      %dma_wait3A_76 = tpu.memref_squeeze %dma_wait3A_75 : memref<1x1000xi32, #tpu.memory_space<vmem>> -> memref<1000xi32, #tpu.memory_space<vmem>>
      %dma_wait3A_77 = arith.constant 0 : i32
      %dma_wait3A_78 = arith.constant 0 : i32
      %dma_wait3A_79 = tpu.memref_slice %arg11[%dma_wait3A_77, %dma_wait3A_78] : memref<10240x16xf32, #tpu.memory_space<vmem_shared>> -> memref<10240x16xf32, #tpu.memory_space<vmem_shared>>
      tpu.wait_indirect_dma semaphore(%run_scoped3A_67 : memref<!tpu.dma_semaphore, #tpu.memory_space<semaphore_mem>>) src(%arg8 : memref<1000x16xf32, #tpu.memory_space<vmem>>) dst(%dma_wait3A_79 : memref<10240x16xf32, #tpu.memory_space<vmem_shared>>)
      tpu.yield
    }) : () -> ()
    %dma_wait3A_58 = arith.constant 0 : i32
    %dma_wait3A_59 = arith.constant 0 : i32
    %dma_wait3A_60 = tpu.memref_slice %arg7[%dma_wait3A_58, %dma_wait3A_59] : memref<2x1000xi32, #tpu.memory_space<vmem>> -> memref<1x1000xi32, #tpu.memory_space<vmem>>
    %dma_wait3A_61 = tpu.memref_squeeze %dma_wait3A_60 : memref<1x1000xi32, #tpu.memory_space<vmem>> -> memref<1000xi32, #tpu.memory_space<vmem>>
    %dma_wait3A_62 = arith.constant 0 : i32
    %dma_wait3A_63 = arith.constant 0 : i32
    %dma_wait3A_64 = tpu.memref_slice %arg12[%dma_wait3A_62, %dma_wait3A_63] : memref<10240x16xf32, #tpu.memory_space<vmem_shared>> -> memref<10240x16xf32, #tpu.memory_space<vmem_shared>>
    tpu.wait_indirect_dma semaphore(%arg16 : memref<!tpu.dma_semaphore, #tpu.memory_space<semaphore_mem>>) src(%dma_wait3A_64 : memref<10240x16xf32, #tpu.memory_space<vmem_shared>>) dst(%arg9 : memref<1000x16xf32, #tpu.memory_space<vmem>>)
    %run_scoped3A_65 = arith.constant 1 : i32
    "tpu.region"() ({
      %run_scoped3A_67 = tpu.sem_alloc : memref<!tpu.dma_semaphore, #tpu.memory_space<semaphore_mem>>
      %dma_start3A_68 = arith.constant 0 : i32
      %dma_start3A_69 = tpu.memref_slice %arg7[%run_scoped3A_65, %dma_start3A_68] : memref<2x1000xi32, #tpu.memory_space<vmem>> -> memref<1x1000xi32, #tpu.memory_space<vmem>>
      %dma_start3A_70 = tpu.memref_squeeze %dma_start3A_69 : memref<1x1000xi32, #tpu.memory_space<vmem>> -> memref<1000xi32, #tpu.memory_space<vmem>>
      %dma_start3A_71 = arith.constant 0 : i32
      %dma_start3A_72 = arith.constant 0 : i32
      %dma_start3A_73 = tpu.memref_slice %arg11[%dma_start3A_71, %dma_start3A_72] : memref<10240x16xf32, #tpu.memory_space<vmem_shared>> -> memref<10240x16xf32, #tpu.memory_space<vmem_shared>>
      tpu.enqueue_indirect_dma source(%arg9 : memref<1000x16xf32, #tpu.memory_space<vmem>>) target(%dma_start3A_73 : memref<10240x16xf32, #tpu.memory_space<vmem_shared>>) offsets(%dma_start3A_70 : memref<1000xi32, #tpu.memory_space<vmem>>) semaphore(%run_scoped3A_67 : memref<!tpu.dma_semaphore, #tpu.memory_space<semaphore_mem>>) {add = true}
      %dma_wait3A_74 = arith.constant 0 : i32
      %dma_wait3A_75 = tpu.memref_slice %arg7[%run_scoped3A_65, %dma_wait3A_74] : memref<2x1000xi32, #tpu.memory_space<vmem>> -> memref<1x1000xi32, #tpu.memory_space<vmem>>
      %dma_wait3A_76 = tpu.memref_squeeze %dma_wait3A_75 : memref<1x1000xi32, #tpu.memory_space<vmem>> -> memref<1000xi32, #tpu.memory_space<vmem>>
      %dma_wait3A_77 = arith.constant 0 : i32
      %dma_wait3A_78 = arith.constant 0 : i32
      %dma_wait3A_79 = tpu.memref_slice %arg11[%dma_wait3A_77, %dma_wait3A_78] : memref<10240x16xf32, #tpu.memory_space<vmem_shared>> -> memref<10240x16xf32, #tpu.memory_space<vmem_shared>>
      tpu.wait_indirect_dma semaphore(%run_scoped3A_67 : memref<!tpu.dma_semaphore, #tpu.memory_space<semaphore_mem>>) src(%arg9 : memref<1000x16xf32, #tpu.memory_space<vmem>>) dst(%dma_wait3A_79 : memref<10240x16xf32, #tpu.memory_space<vmem_shared>>)
      tpu.yield
    }) : () -> ()
    %barrier3A_66 = arith.constant 0 : index
    tpu.barrier barrier_id(%barrier3A_66)
    "tpu.region"() ({
      %run_scoped3A_67 = tpu.sem_alloc : memref<!tpu.dma_semaphore, #tpu.memory_space<semaphore_mem>>
      %dma_start3A_68 = arith.constant 0 : i32
      %dma_start3A_69 = tpu.memref_slice %arg11[%multiple_of3A, %dma_start3A_68] : memref<10240x16xf32, #tpu.memory_space<vmem_shared>> -> memref<640x16xf32, #tpu.memory_space<vmem_shared>>
      %dma_start3A_70 = arith.constant 0 : i32
      %dma_start3A_71 = tpu.memref_slice %arg11[%multiple_of3A, %dma_start3A_70] : memref<10240x16xf32, #tpu.memory_space<vmem_shared>> -> memref<640x16xf32, #tpu.memory_space<vmem_shared>>
      tpu.enqueue_dma source(%dma_start3A_71 : memref<640x16xf32, #tpu.memory_space<vmem_shared>>) target(%arg10 : memref<640x16xf32, #tpu.memory_space<vmem>>) target_semaphore(%run_scoped3A_67 : memref<!tpu.dma_semaphore, #tpu.memory_space<semaphore_mem>>)
      %dma_wait3A_72 = arith.constant 0 : i32
      %dma_wait3A_73 = tpu.memref_slice %arg11[%multiple_of3A, %dma_wait3A_72] : memref<10240x16xf32, #tpu.memory_space<vmem_shared>> -> memref<640x16xf32, #tpu.memory_space<vmem_shared>>
      %dma_wait3A_74 = arith.constant 0 : i32
      %dma_wait3A_75 = tpu.memref_slice %arg11[%multiple_of3A, %dma_wait3A_74] : memref<10240x16xf32, #tpu.memory_space<vmem_shared>> -> memref<640x16xf32, #tpu.memory_space<vmem_shared>>
      tpu.wait_dma2 semaphore(%run_scoped3A_67 : memref<!tpu.dma_semaphore, #tpu.memory_space<semaphore_mem>>) src(%dma_wait3A_75 : memref<640x16xf32, #tpu.memory_space<vmem_shared>>) dst(%arg10 : memref<640x16xf32, #tpu.memory_space<vmem>>)
      tpu.yield
    }) : () -> ()
    "tpu.region"() ({
      %run_scoped3A_67 = tpu.sem_alloc : memref<!tpu.dma_semaphore, #tpu.memory_space<semaphore_mem>>
      %dma_start3A_68 = arith.constant 0 : i32
      %dma_start3A_69 = tpu.memref_slice %arg5[%arg0, %multiple_of3A, %dma_start3A_68] : memref<2x10240x16xf32, #tpu.memory_space<hbm>> -> memref<1x640x16xf32, #tpu.memory_space<hbm>>
      %dma_start3A_70 = tpu.memref_squeeze %dma_start3A_69 : memref<1x640x16xf32, #tpu.memory_space<hbm>> -> memref<640x16xf32, #tpu.memory_space<hbm>>
      %dma_start3A_71 = arith.constant 0 : i32
      %dma_start3A_72 = tpu.memref_slice %arg5[%arg0, %multiple_of3A, %dma_start3A_71] : memref<2x10240x16xf32, #tpu.memory_space<hbm>> -> memref<1x640x16xf32, #tpu.memory_space<hbm>>
      %dma_start3A_73 = tpu.memref_squeeze %dma_start3A_72 : memref<1x640x16xf32, #tpu.memory_space<hbm>> -> memref<640x16xf32, #tpu.memory_space<hbm>>
      tpu.enqueue_dma source(%arg10 : memref<640x16xf32, #tpu.memory_space<vmem>>) target(%dma_start3A_73 : memref<640x16xf32, #tpu.memory_space<hbm>>) target_semaphore(%run_scoped3A_67 : memref<!tpu.dma_semaphore, #tpu.memory_space<semaphore_mem>>)
      %dma_wait3A_74 = arith.constant 0 : i32
      %dma_wait3A_75 = tpu.memref_slice %arg5[%arg0, %multiple_of3A, %dma_wait3A_74] : memref<2x10240x16xf32, #tpu.memory_space<hbm>> -> memref<1x640x16xf32, #tpu.memory_space<hbm>>
      %dma_wait3A_76 = tpu.memref_squeeze %dma_wait3A_75 : memref<1x640x16xf32, #tpu.memory_space<hbm>> -> memref<640x16xf32, #tpu.memory_space<hbm>>
      %dma_wait3A_77 = arith.constant 0 : i32
      %dma_wait3A_78 = tpu.memref_slice %arg5[%arg0, %multiple_of3A, %dma_wait3A_77] : memref<2x10240x16xf32, #tpu.memory_space<hbm>> -> memref<1x640x16xf32, #tpu.memory_space<hbm>>
      %dma_wait3A_79 = tpu.memref_squeeze %dma_wait3A_78 : memref<1x640x16xf32, #tpu.memory_space<hbm>> -> memref<640x16xf32, #tpu.memory_space<hbm>>
      tpu.wait_dma2 semaphore(%run_scoped3A_67 : memref<!tpu.dma_semaphore, #tpu.memory_space<semaphore_mem>>) src(%arg10 : memref<640x16xf32, #tpu.memory_space<vmem>>) dst(%dma_wait3A_79 : memref<640x16xf32, #tpu.memory_space<hbm>>)
      tpu.yield
    }) : () -> ()
    return
  }
}

module attributes {stable_mosaic.version = 14 : i64} {
  func.func @_stage_a_body(%arg0: memref<10000x128xf32, #tpu.memory_space<vmem>>, %arg1: memref<8x10000xf32, #tpu.memory_space<vmem>>, %arg2: memref<8x128x128xf32, #tpu.memory_space<vmem>>, %arg3: memref<8x128xf32, #tpu.memory_space<vmem>>, %arg4: memref<10240x16xf32, #tpu.memory_space<vmem>>) attributes {dimension_semantics = [], scalar_prefetch = 0 : i64, scratch_operands = 0 : i64, tpu.core_type = #tpu.core_type<tc>} {
    %get3A = arith.constant 0 : index
    %get3A_0 = arith.constant 0 : index
    %get3A_1 = arith.constant 0 : index
    %get3A_2 = vector.load %arg2[%get3A, %get3A_0, %get3A_1] : memref<8x128x128xf32, #tpu.memory_space<vmem>>, vector<8x128x128xf32>
    %get3A_3 = arith.constant 0 : index
    %get3A_4 = arith.constant 0 : index
    %get3A_5 = vector.load %arg3[%get3A_3, %get3A_4] : memref<8x128xf32, #tpu.memory_space<vmem>>, vector<8x128xf32>
    %dot_general3A = arith.constant dense<0.000000e+00> : vector<8x128xf32>
    %dot_general3A_6 = tpu.matmul %get3A_2, %get3A_5, %dot_general3A {dimension_numbers = #tpu.dot_dimension_numbers<[2], [1], [1], [], [0, 0, 0, 1], [0], [0]>, transpose_lhs_hint = false} : vector<8x128x128xf32>, vector<8x128xf32>, vector<8x128xf32> -> vector<8x128xf32>
    %broadcast_in_dim3A = arith.constant 0.000000e+00 : f32
    %broadcast_in_dim3A_7 = vector.broadcast %broadcast_in_dim3A : f32 to vector<8x128xf32>
    %concatenate3A = tpu.concatenate %dot_general3A_6, %broadcast_in_dim3A_7 in 0 : vector<8x128xf32>, vector<8x128xf32> -> vector<16x128xf32>
    %get3A_8 = arith.constant 0 : index
    %get3A_9 = arith.constant 0 : index
    %get3A_10 = vector.load %arg0[%get3A_8, %get3A_9] : memref<10000x128xf32, #tpu.memory_space<vmem>>, vector<10000x128xf32>
    %dot_general3A_11 = arith.constant dense<0.000000e+00> : vector<10000x16xf32>
    %dot_general3A_12 = tpu.matmul %get3A_10, %concatenate3A, %dot_general3A_11 {dimension_numbers = #tpu.dot_dimension_numbers<[1], [1], [0], [0], [0, 0, 1, 0], [], []>, transpose_lhs_hint = false} : vector<10000x128xf32>, vector<16x128xf32>, vector<10000x16xf32> -> vector<10000x16xf32>
    %get3A_13 = arith.constant 0 : index
    %get3A_14 = arith.constant 0 : index
    %get3A_15 = vector.load %arg1[%get3A_13, %get3A_14] : memref<8x10000xf32, #tpu.memory_space<vmem>>, vector<8x10000xf32>
    %transpose3A = tpu.transpose %get3A_15, [1, 0] : vector<8x10000xf32> -> vector<10000x8xf32>
    %broadcast_in_dim3A_16 = arith.constant 0.000000e+00 : f32
    %broadcast_in_dim3A_17 = vector.broadcast %broadcast_in_dim3A_16 : f32 to vector<10000x8xf32>
    %concatenate3A_18 = tpu.concatenate %transpose3A, %broadcast_in_dim3A_17 in 1 : vector<10000x8xf32>, vector<10000x8xf32> -> vector<10000x16xf32>
    %mul3A = arith.mulf %dot_general3A_12, %concatenate3A_18 : vector<10000x16xf32>
    %broadcast_in_dim3A_19 = arith.constant 0.000000e+00 : f32
    %broadcast_in_dim3A_20 = vector.broadcast %broadcast_in_dim3A_19 : f32 to vector<240x16xf32>
    %concatenate3A_21 = tpu.concatenate %mul3A, %broadcast_in_dim3A_20 in 0 : vector<10000x16xf32>, vector<240x16xf32> -> vector<10240x16xf32>
    %swap3A = arith.constant 0 : index
    %swap3A_22 = arith.constant 0 : index
    %swap3A_23 = vector.load %arg4[%swap3A, %swap3A_22] : memref<10240x16xf32, #tpu.memory_space<vmem>>, vector<10240x16xf32>
    tpu.vector_store %arg4[%swap3A, %swap3A_22], %concatenate3A_21 {strides = array<i32>} : memref<10240x16xf32, #tpu.memory_space<vmem>>, vector<10240x16xf32>,
    return
  }
}

module attributes {stable_mosaic.version = 14 : i64} {
  func.func @_stage_b_body(%arg0: memref<10000x128xf32, #tpu.memory_space<vmem>>, %arg1: memref<8x10000xf32, #tpu.memory_space<vmem>>, %arg2: memref<2x10240x16xf32, #tpu.memory_space<vmem>>, %arg3: memref<1x8xf32, #tpu.memory_space<vmem>>, %arg4: memref<8x10000xf32, #tpu.memory_space<vmem>>) attributes {dimension_semantics = [], scalar_prefetch = 0 : i64, scratch_operands = 0 : i64, tpu.core_type = #tpu.core_type<tc>} {
    %get3A = arith.constant 0 : index
    %get3A_0 = arith.constant 0 : index
    %get3A_1 = arith.constant 0 : index
    %get3A_2 = vector.load %arg2[%get3A, %get3A_0, %get3A_1] : memref<2x10240x16xf32, #tpu.memory_space<vmem>>, vector<1x10000x16xf32>
    %get3A_3 = vector.shape_cast %get3A_2 : vector<1x10000x16xf32> to vector<10000x16xf32>
    %get3A_4 = arith.constant 1 : index
    %get3A_5 = arith.constant 0 : index
    %get3A_6 = arith.constant 0 : index
    %get3A_7 = vector.load %arg2[%get3A_4, %get3A_5, %get3A_6] : memref<2x10240x16xf32, #tpu.memory_space<vmem>>, vector<1x10000x16xf32>
    %get3A_8 = vector.shape_cast %get3A_7 : vector<1x10000x16xf32> to vector<10000x16xf32>
    %add3A = arith.addf %get3A_3, %get3A_8 : vector<10000x16xf32>
    %logistic3A = arith.negf %add3A : vector<10000x16xf32>
    %logistic3A_9 = math.exp %logistic3A : vector<10000x16xf32>
    %logistic3A_10 = arith.constant 1.000000e+00 : f32
    %logistic3A_11 = vector.broadcast %logistic3A_10 : f32 to vector<10000x16xf32>
    %logistic3A_12 = arith.addf %logistic3A_11, %logistic3A_9 : vector<10000x16xf32>
    %logistic3A_13 = arith.divf %logistic3A_11, %logistic3A_12 : vector<10000x16xf32>
    %get3A_14 = arith.constant 0 : index
    %get3A_15 = arith.constant 0 : index
    %get3A_16 = vector.load %arg1[%get3A_14, %get3A_15] : memref<8x10000xf32, #tpu.memory_space<vmem>>, vector<8x10000xf32>
    %transpose3A = tpu.transpose %get3A_16, [1, 0] : vector<8x10000xf32> -> vector<10000x8xf32>
    %broadcast_in_dim3A = arith.constant 0.000000e+00 : f32
    %broadcast_in_dim3A_17 = vector.broadcast %broadcast_in_dim3A : f32 to vector<10000x8xf32>
    %concatenate3A = tpu.concatenate %transpose3A, %broadcast_in_dim3A_17 in 1 : vector<10000x8xf32>, vector<10000x8xf32> -> vector<10000x16xf32>
    %mul3A = arith.mulf %concatenate3A, %logistic3A_13 : vector<10000x16xf32>
    %get3A_18 = arith.constant 0 : index
    %get3A_19 = arith.constant 0 : index
    %get3A_20 = vector.load %arg0[%get3A_18, %get3A_19] : memref<10000x128xf32, #tpu.memory_space<vmem>>, vector<10000x128xf32>
    %dot_general3A = arith.constant dense<0.000000e+00> : vector<128x16xf32>
    %dot_general3A_21 = tpu.matmul %get3A_20, %mul3A, %dot_general3A {dimension_numbers = #tpu.dot_dimension_numbers<[0], [0], [1], [1], [0, 1, 1, 1], [], []>, transpose_lhs_hint = false} : vector<10000x128xf32>, vector<10000x16xf32>, vector<128x16xf32> -> vector<128x16xf32>
    %reduce_sum3A = arith.constant dense<0.000000e+00> : vector<16xf32>
    %reduce_sum3A_22 = vector.multi_reduction <add>, %logistic3A_13, %reduce_sum3A [0] : vector<10000x16xf32> to vector<16xf32>
    %broadcast_in_dim3A_23 = vector.shape_cast %reduce_sum3A_22 : vector<16xf32> to vector<1x16xf32>
    %add3A_24 = arith.constant 9.99999993E-9 : f32
    %add3A_25 = vector.broadcast %add3A_24 : f32 to vector<1x16xf32>
    %add3A_26 = arith.addf %broadcast_in_dim3A_23, %add3A_25 : vector<1x16xf32>
    %div3A = vector.broadcast %add3A_26 : vector<1x16xf32> to vector<128x16xf32>
    %div3A_27 = arith.divf %dot_general3A_21, %div3A : vector<128x16xf32>
    %mul3A_28 = arith.mulf %div3A_27, %div3A_27 : vector<128x16xf32>
    %reduce_sum3A_29 = arith.constant dense<0.000000e+00> : vector<16xf32>
    %reduce_sum3A_30 = vector.multi_reduction <add>, %mul3A_28, %reduce_sum3A_29 [0] : vector<128x16xf32> to vector<16xf32>
    %broadcast_in_dim3A_31 = vector.shape_cast %reduce_sum3A_30 : vector<16xf32> to vector<1x16xf32>
    %dot_general3A_32 = arith.constant dense<0.000000e+00> : vector<10000x16xf32>
    %dot_general3A_33 = tpu.matmul %get3A_20, %div3A_27, %dot_general3A_32 {dimension_numbers = #tpu.dot_dimension_numbers<[1], [0], [0], [1], [0, 0, 1, 1], [], []>, transpose_lhs_hint = false} : vector<10000x128xf32>, vector<128x16xf32>, vector<10000x16xf32> -> vector<10000x16xf32>
    %mul3A_34 = arith.mulf %get3A_20, %get3A_20 : vector<10000x128xf32>
    %reduce_sum3A_35 = arith.constant dense<0.000000e+00> : vector<10000xf32>
    %reduce_sum3A_36 = vector.multi_reduction <add>, %mul3A_34, %reduce_sum3A_35 [1] : vector<10000x128xf32> to vector<10000xf32>
    %broadcast_in_dim3A_37 = vector.shape_cast %reduce_sum3A_36 : vector<10000xf32> to vector<10000x1xf32>
    %get3A_38 = arith.constant 0 : index
    %get3A_39 = arith.constant 0 : index
    %get3A_40 = vector.load %arg3[%get3A_38, %get3A_39] : memref<1x8xf32, #tpu.memory_space<vmem>>, vector<1x8xf32>
    %broadcast_in_dim3A_41 = arith.constant 0xFF800000 : f32
    %broadcast_in_dim3A_42 = vector.broadcast %broadcast_in_dim3A_41 : f32 to vector<1x8xf32>
    %concatenate3A_43 = tpu.concatenate %get3A_40, %broadcast_in_dim3A_42 in 1 : vector<1x8xf32>, vector<1x8xf32> -> vector<1x16xf32>
    %mul3A_44 = arith.constant 2.000000e+00 : f32
    %mul3A_45 = vector.broadcast %mul3A_44 : f32 to vector<10000x16xf32>
    %mul3A_46 = arith.mulf %mul3A_45, %dot_general3A_33 : vector<10000x16xf32>
    %sub3A = vector.broadcast %broadcast_in_dim3A_37 : vector<10000x1xf32> to vector<10000x16xf32>
    %sub3A_47 = arith.subf %mul3A_46, %sub3A : vector<10000x16xf32>
    %sub3A_48 = vector.broadcast %broadcast_in_dim3A_31 : vector<1x16xf32> to vector<10000x16xf32>
    %sub3A_49 = arith.subf %sub3A_47, %sub3A_48 : vector<10000x16xf32>
    %add3A_50 = vector.broadcast %concatenate3A_43 : vector<1x16xf32> to vector<10000x16xf32>
    %add3A_51 = arith.addf %sub3A_49, %add3A_50 : vector<10000x16xf32>
    %gt3A = arith.constant 0.000000e+00 : f32
    %gt3A_52 = vector.broadcast %gt3A : f32 to vector<10000x16xf32>
    %gt3A_53 = arith.cmpf ogt, %add3A_51, %gt3A_52 : vector<10000x16xf32>
    %convert_element_type3A = arith.extui %gt3A_53 : vector<10000x16xi1> to vector<10000x16xi32>
    %convert_element_type3A_54 = arith.sitofp %convert_element_type3A : vector<10000x16xi32> to vector<10000x16xf32>
    %iota3A = tpu.iota {dimensions = array<i32: 0>} : vector<16x16xi32>
    %iota3A_55 = tpu.iota {dimensions = array<i32: 1>} : vector<16x16xi32>
    %le3A = arith.cmpi sle, %iota3A, %iota3A_55 : vector<16x16xi32>
    %convert_element_type3A_56 = arith.extui %le3A : vector<16x16xi1> to vector<16x16xi32>
    %convert_element_type3A_57 = arith.sitofp %convert_element_type3A_56 : vector<16x16xi32> to vector<16x16xf32>
    %dot_general3A_58 = arith.constant dense<0.000000e+00> : vector<10000x16xf32>
    %dot_general3A_59 = tpu.matmul %convert_element_type3A_54, %convert_element_type3A_57, %dot_general3A_58 {dimension_numbers = #tpu.dot_dimension_numbers<[1], [0], [0], [1], [0, 0, 1, 1], [], []>, transpose_lhs_hint = false} : vector<10000x16xf32>, vector<16x16xf32>, vector<10000x16xf32> -> vector<10000x16xf32>
    %le3A_60 = arith.constant 2.000000e+00 : f32
    %le3A_61 = vector.broadcast %le3A_60 : f32 to vector<10000x16xf32>
    %le3A_62 = arith.cmpf ole, %dot_general3A_59, %le3A_61 : vector<10000x16xf32>
    %and3A = arith.andi %gt3A_53, %le3A_62 : vector<10000x16xi1>
    %jit3A = arith.constant 1.000000e+00 : f32
    %jit3A_63 = arith.constant 0.000000e+00 : f32
    %broadcast_in_dim3A_64 = vector.broadcast %jit3A : f32 to vector<10000x16xf32>
    %broadcast_in_dim3A_65 = vector.broadcast %jit3A_63 : f32 to vector<10000x16xf32>
    %select_n3A = arith.select %and3A, %broadcast_in_dim3A_64, %broadcast_in_dim3A_65 : vector<10000x16xi1>, vector<10000x16xf32>
    %slice3A = vector.extract_strided_slice %select_n3A {offsets = [0, 0], sizes = [10000, 8], strides = [1, 1]} : vector<10000x16xf32> to vector<10000x8xf32>
    %transpose3A_66 = tpu.transpose %slice3A, [1, 0] : vector<10000x8xf32> -> vector<8x10000xf32>
    %swap3A = arith.constant 0 : index
    %swap3A_67 = arith.constant 0 : index
    %swap3A_68 = vector.load %arg4[%swap3A, %swap3A_67] : memref<8x10000xf32, #tpu.memory_space<vmem>>, vector<8x10000xf32>
    tpu.vector_store %arg4[%swap3A, %swap3A_67], %transpose3A_66 {strides = array<i32>} : memref<8x10000xf32, #tpu.memory_space<vmem>>, vector<8x10000xf32>,
    return
  }
}

</mosaic_0001>

<sc_bundles>
// kernel: kernel.5.cloned.1.call-start
scs
__scs_entry_jumppad:
0x0: {  	(pc) =	sbr.rel $0x88, $3  }
0x1: {  	(tag) =	ssettag $0x0;
	lr =	simm.s32 $0x1  }
0x2: {  	[smem:$0x3F9B] =	sst lr;
	_ =	strace $0xD0000000  }
0x3: {  	_ = 	snop  }
0x4: {  	_ = 	snop  }
0x5: {  	_ = 	snop  }
0x6: {  	_ = 	snop  }
0x7: {  	_ = 	snop  }
__scs_overlays_trampoline_lowered:
0x8: {  	[smem:$0x3FAA] =	sst s0  }
0x9: {  	[smem:$0x3FAB] =	sst s1  }
0xa: {  	[smem:$0x3FAC] =	sst s2  }
0xb: {  	[smem:$0x3FAD] =	sst s3  }
0xc: {  	[smem:$0x3FAE] =	sst s4  }
0xd: {  	[smem:$0x3FAF] =	sst s5  }
0xe: {  	[smem:$0x3FB0] =	sst s6  }
0xf: {  	[smem:$0x3FB1] =	sst s7  }
0x10: {  	[smem:$0x3FB2] =	sst s8  }
0x11: {  	[smem:$0x3FB3] =	sst s9;
	s0 =	simm.s32 @!p0 $0x0  }
0x12: {  	s1 =	sld [smem:$0x3F99];
	s0 =	simm.s32 @p0 $0x1  }
0x13: {  	[smem:$0x3FB4] =	sst s0;
	s0 =	simm.s32 @!p1 $0x0  }
0x14: {  	s2 =	sld [smem:$0x3F98];
	s0 =	simm.s32 @p1 $0x1  }
0x15: {  	[smem:$0x3FB5] =	sst s0;
	s0 =	simm.s32 @!p2 $0x0  }
0x16: {  	s3 =	sld [smem:$0x3FDB];
	s0 =	simm.s32 @p2 $0x1  }
0x17: {  	s4 =	simm.s32 $0x1BF5;
	[smem:$0x3FB7] =	sst s0  }
0x18: {  	s0 =	sld [smem:$0x3F9A];
	_ =	swait.ge [sflag:s4], $0x0  }
0x19: {  	s7 =	sld [smem:$0x3F9B]  }
0x1a: {  	s8 =	sadd.s32 $0xFFFFE003, lr  }
0x1b: {  	s9 =	sadd.s32 $0xFFFFFEF7, lr;
	s5 =	simm.s32 $0xFFFFFFFF;
	p2 =	slt.u32 s8, $0xFFFFF086  }
0x1c: {  	p1 =	slt.u32 s9, $0xF7A;
	s5 =	simm.s32 @!p2 $0x0  }
0x1d: {  	s5 =	simm.s32 @p1 $0x1;
	p0 =	seq.s32 s7, s2  }
0x1e: {  	s7 =	smul.u32 @!p0 $0xF7A, s2;
	p2 =	seq.s32 @!p0 s5, $0x0  }
0x1f: {  	s9 =	smul.u32 $0xF7A, s1;
	s8 =	simm.s32 @!p0 $0x1BF5;
	p2 =	por !p2, p0  }
0x20: {  	[sflag:s8] =	ssyncset.s32 @!p0 $0xFFFFF086;
	s6 =	sadd.s32 @!p0 s3, s7;
	s7 =	simm.s32 @!p0 $0x108  }
0x21: {  	s3 =	sadd.s32 s3, s9;
	s6 =	sadd.s32 @!p0 $0x88, s6;
	s7 =	simm.s32 @p2 $0x1082  }
0x22: {  	[simem:s7], [sflag:s8] =	dma.local @!p0 [hbm:s6], $0xF7A  }
0x23: {  	s9 =	sor.u32 $0xD0000000, s2;
	s6 =	simm.s32 $0x108;
	_ =	swait.ge @!p0 [sflag:s8], $0x0  }
0x24: {  	s3 =	sadd.s32 $0x88, s3;
	s6 =	simm.s32 @!p1 $0x1082;
	[sflag:s4] =	ssyncset.s32 $0xFFFFF086  }
0x25: {  	[simem:s6], [sflag:s4] =	dma.local [hbm:s3], $0xF7A  }
0x26: {  	[smem:$0x3F9B] =	sst s1;
	(tag) =	ssettag s2;
	_ =	strace s9  }
0x27: {  	s1 =	sld [smem:$0x3FAB]  }
0x28: {  	s2 =	sld [smem:$0x3FAC]  }
0x29: {  	s4 =	sld [smem:$0x3FAE]  }
0x2a: {  	p0 =	seq.s32 s5, $0x0;
	s5 =	sld [smem:$0x3FAF]  }
0x2b: {  	s6 =	sld [smem:$0x3FB0]  }
0x2c: {  	s7 =	sld [smem:$0x3FB1]  }
0x2d: {  	s3 =	simm.s32 $0x108;
	s8 =	sld [smem:$0x3FB2]  }
0x2e: {  	s3 =	simm.s32 @!p0 $0x1082;
	s9 =	sld [smem:$0x3FB3]  }
0x2f: {  	lr =	sadd.s32 s0, s3;
	s0 =	sld [smem:$0x3FAA]  }
0x30: {  	s3 =	sld [smem:$0x3FAD]  }
0x31: {  	[smem:$0x3FB6] =	sst s10  }
0x32: {  	s10 =	sld [smem:$0x3FB4];
	_ =	sdelay $0x3  }
0x33: {  	p0 =	seq.s32 s10, $0x1;
	s10 =	sld [smem:$0x3FB6];
	_ =	sdelay $0x3  }
0x34: {  	[smem:$0x3FB6] =	sst s10  }
0x35: {  	s10 =	sld [smem:$0x3FB5];
	_ =	sdelay $0x3  }
0x36: {  	p1 =	seq.s32 s10, $0x1;
	s10 =	sld [smem:$0x3FB6];
	_ =	sdelay $0x3  }
0x37: {  	[smem:$0x3FB6] =	sst s10  }
0x38: {  	s10 =	sld [smem:$0x3FB7]  }
0x39: {  	_ = 	snop;
	(pc) =	sbr.ind lr, $3  }
0x3a: {  	_ = 	snop  }
0x3b: {  	_ = 	snop  }
0x3c: {  	p2 =	seq.s32 s10, $0x1;
	s10 =	sld [smem:$0x3FB6]  }
0x3d: {  	_ =	shalt  }
0x3e: {  	_ =	shalt  }
0x3f: {  	_ =	shalt  }
0x40: {  	_ =	shalt  }
0x41: {  	_ =	shalt  }
0x42: {  	_ =	shalt  }
0x43: {  	_ =	shalt  }
0x44: {  	_ =	shalt  }
0x45: {  	_ =	shalt  }
0x46: {  	_ =	shalt  }
0x47: {  	_ =	shalt  }
0x48: {  	_ =	shalt  }
0x49: {  	_ =	shalt  }
0x4a: {  	_ =	shalt  }
0x4b: {  	_ =	shalt  }
0x4c: {  	_ =	shalt  }
0x4d: {  	_ =	shalt  }
0x4e: {  	_ =	shalt  }
0x4f: {  	_ =	shalt  }
0x50: {  	_ =	shalt  }
0x51: {  	_ =	shalt  }
0x52: {  	_ =	shalt  }
0x53: {  	_ =	shalt  }
0x54: {  	_ =	shalt  }
0x55: {  	_ =	shalt  }
0x56: {  	_ =	shalt  }
0x57: {  	_ =	shalt  }
0x58: {  	_ =	shalt  }
0x59: {  	_ =	shalt  }
0x5a: {  	_ =	shalt  }
0x5b: {  	_ =	shalt  }
0x5c: {  	_ =	shalt  }
0x5d: {  	_ =	shalt  }
0x5e: {  	_ =	shalt  }
0x5f: {  	_ =	shalt  }
0x60: {  	_ =	shalt  }
0x61: {  	_ =	shalt  }
0x62: {  	_ =	shalt  }
0x63: {  	_ =	shalt  }
0x64: {  	_ =	shalt  }
0x65: {  	_ =	shalt  }
0x66: {  	_ =	shalt  }
0x67: {  	_ =	shalt  }
0x68: {  	_ =	shalt  }
0x69: {  	_ =	shalt  }
0x6a: {  	_ =	shalt  }
0x6b: {  	_ =	shalt  }
0x6c: {  	_ =	shalt  }
0x6d: {  	_ =	shalt  }
0x6e: {  	_ =	shalt  }
0x6f: {  	_ =	shalt  }
0x70: {  	_ =	shalt  }
0x71: {  	_ =	shalt  }
0x72: {  	_ =	shalt  }
0x73: {  	_ =	shalt  }
0x74: {  	_ =	shalt  }
0x75: {  	_ =	shalt  }
0x76: {  	_ =	shalt  }
0x77: {  	_ =	shalt  }
0x78: {  	_ =	shalt  }
0x79: {  	_ =	shalt  }
0x7a: {  	_ =	shalt  }
0x7b: {  	_ =	shalt  }
0x7c: {  	_ =	shalt  }
0x7d: {  	_ =	shalt  }
0x7e: {  	_ =	shalt  }
0x7f: {  	_ =	shalt  }
0x80: {  	_ =	shalt  }
0x81: {  	_ =	shalt  }
0x82: {  	_ =	shalt  }
0x83: {  	_ =	shalt  }
0x84: {  	_ =	shalt  }
0x85: {  	_ =	shalt  }
0x86: {  	_ =	shalt  }
0x87: {  	_ =	shalt  }
.Lfunc_end0:
.L_simem_size_0:
called_computation_lowered:
.L_overlay_start_0:
0x88: {  	s2 =	sld [smem:$0x3FD9]  }
0x89: {  	s3 =	sld [smem:$0x3FFE];
	_ =	sdelay $0x1  }
0x8a: {  	s1 =	srdreg.scid  }
0x8b: {  	s0 =	sand.u32 $0x1, s1  }
0x8c: {  	s16 =	sshll.u32 s0, $0xA;
	s2 =	sadd.s32 s3, s2  }
0x8d: {  	s2 =	sadd.s32 s2, s16  }
0x8e: {  	[smem:$0x3FC2] =	sst s2  }
0x8f: {  	_ = 	snop  }
0x90: {  	(tm) =	ssettm $0x1  }
0x91: {  	s17 =	sld [smem:$0x3FFB];
	_ =	sdelay $0x3  }
0x92: {  	_ =	strace s17  }
0x93: {  	s2 =	sld [smem:$0x3FFC];
	_ =	sdelay $0x3  }
0x94: {  	_ =	strace s2  }
0x95: {  	s2 =	sld [smem:$0x3FFD];
	_ =	sdelay $0x3  }
0x96: {  	_ =	strace s2  }
0x97: {  	_ =	strace $0x8FFFFFFF  }
0x98: {  	s18 =	sld [smem:$0x3FDB];
	_ =	sdelay $0x1  }
0x99: {  	s19 =	simm.s32 $_scs_section_size  }
0x9a: {  	s4 =	simm.s32 $_size__tile_overlayer_lowered;
	s5 =	simm.s32 $_tile_overlayer_lowered  }
0x9b: {  	s22 =	simm.s32 $0x1BFF;
	s21 =	sshll.u32 s5, $0x1;
	s2 =	sadd.s32 s19, s18  }
0x9c: {  	s6 =	simm.s32 $0x0;
	s20 =	sshll.u32 s4, $0x1;
	s4 =	sadd.s32 s21, s2  }
0x9d: {  	[timem:s6], [sflag:s22] =	dma.local [hbm:s4], s20  }
0x9e: {  	_ =	swait.ge [sflag:s22], s20  }
0x9f: {  	s3 =	ssub.s32 $0x0, s20;
	[sflag:s22] =	ssyncset.done $0x0  }
0xa0: {  	[sflag:s22] =	ssyncadd.s32 s3;
	_ =	sdelay $0x1  }
0xa1: {  	s23 =	simm.s32 $0x1B8B  }
0xa2: {  	_ =	swait.ge [sflag:s23], $0x1  }
0xa3: {  	[sflag:s23] =	ssyncset.done $0x0  }
0xa4: {  	s25 =	simm.s32 $0x1B8E;
	s24 =	sld [smem:$0x3FFE];
	[sflag:s23] =	ssyncadd.s32 $0xFFFFFFFF  }
0xa5: {  	s26 =	simm.s32 $execute0_lowered;
	[smem:$0x3FD2] =	sst s25  }
0xa6: {  	s4 =	sshll.u32 s26, $0x1;
	_ =	strace $0x80000046;
	[dreg:$0x1] =	wrdreg $0xFFFFFFFF  }
0xa7: {  	s28 =	simm.s32 $_size_execute0_lowered;
	s2 =	sadd.s32 s2, s4;
	[dreg:$0x0] =	wrdreg $0x0  }
0xa8: {  	s4 =	sshll.u32 s28, $0x1;
	[dreg:$0x2] =	wrdreg s2  }
0xa9: {  	[dreg:$0x3] =	wrdreg s4  }
0xaa: {  	[dreg:$0x4] =	wrdreg $0xC0  }
0xab: {  	_ =	task [dreg:s6], $0x5FFFF  }
0xac: {  	[dreg:$0x1] =	wrdreg $0xFFFFFFFF  }
0xad: {  	[dreg:$0x0] =	wrdreg $0x60  }
0xae: {  	[dreg:$0x2] =	wrdreg s24  }
0xaf: {  	[dreg:$0x3] =	wrdreg $0xDCA00  }
0xb0: {  	[dreg:$0x4] =	wrdreg $0xB4A00  }
0xb1: {  	[dreg:$0x5] =	wrdreg $0x9  }
0xb2: {  	_ =	task.clear_ibuf [dreg:s6], $0x6FFFF;
	_ =	strace $0x90000046  }
0xb3: {  	s29 =	simm.s32 $0x9;
	_ =	strace $0x80000048  }
0xb4: {  	_ =	swait.ge [sflag:s29], $0x1  }
0xb5: {  	[sflag:s29] =	ssyncadd.s32 $0xFFFFFFFF  }
0xb6: {  	_ =	strace $0x90000048  }
0xb7: {  	_ =	sfence  }
0xb8: {  	s30 =	sld [smem:$0x0];
	_ =	sdelay $0x2  }
0xb9: {  	s31 =	sshll.u32 s1, $0xD;
	s1 =	sshrl.u32 s1, $0x2  }
0xba: {  	s3 =	sand.u32 $0x4000, s31;
	s1 =	sadd.s32 s1, s30  }
0xbb: {  	s0 =	sor.u32 s3, s0;
	s1 =	sshll.u32 s1, $0x11  }
0xbc: {  	s0 =	sor.u32 s1, s0  }
0xbd: {  	s0 =	sadd.s32 $0x8F2B, s0  }
0xbe: {  	[sflag:s0] =	ssyncadd.remote.s32 $0x1  }
0xbf: {  	_ =	sfence.sel $0xFFFF  }
0xc0: {  	[dreg:$0x0] =	wrdreg $0xFFFFFFFF;
	(pc) =	sbr.abs _section_cstart, $3  }
0xc1: {  	[dreg:$0x1] =	wrdreg $0xFFFFFFFF  }
0xc2: {  	_ =	task.clear_ibuf [dreg:s6], $0x2FFFF;
	_ =	strace $0x9FFFFFFF  }
0xc3: {  	(tm) =	ssettm $0x7FFFFFFF  }
tec
execute0_lowered:
.L_overlay_start_1:
0x0: {  	(tag) =	ssettag $0x1  }
0x1: {  	s9 =	stileid.u32  }
0x2: {  	s31 =	smul.u32 $0x2800, s9  }
0x3: {  	s10 =	rddreg [dreg:$0x0]  }
0x4: {  	s2 =	rddreg [dreg:$0x1];
	s0 =	sshrl.u32 s31, $0x3  }
0x5: {  	s3 =	rddreg [dreg:$0x2];
	s4 =	simm.s32 $0x0;
	s0 =	sadd.s32 s0, s10  }
0x6: {  	[smem:$0x7FF] =	sst s4;
	s1 =	sadd.s32 $0x14A00, s0  }
0x7: {  	_ =	strace $0x80000047;
	[dreg:$0x4] =	wrdreg s1  }
0x8: {  	s6 =	simm.s32 $0x8CA0;
	s5 =	simm.s32 $0x5;
	s1 =	rddreg [dreg:$0x4]  }
0x9: {  	[tilespmem:s6], [sflag:$0x5] =	stream.linear.gather [hbm4b:s1+s4], $0x2800, $0x38;
	[tilespmem:$0x104A0] =	vst v63  }
0xa: {  	_ =	swait.ge [sflag:s5], $0x2800  }
0xb: {  	[sflag:s5] =	ssyncset.done $0x0  }
0xc: {  	s7 =	sadd.s32 s31, s2;
	[sflag:s5] =	ssyncadd.s32 $0xFFFFD800  }
0xd: {  	[spmem:s7] =	stream.linear.scatter [tilespmem:s6], [sflag:$0x5], $0x2800, $0x38;
	[tilespmem:$0x104A0] =	vst v63  }
0xe: {  	_ =	swait.ge [sflag:s5], $0x2800  }
0xf: {  	[sflag:s5] =	ssyncset.done $0x0  }
0x10: {  	s24 =	srdreg.scid;
	s8 =	sadd.s32 $0x19A00, s0;
	[sflag:s5] =	ssyncadd.s32 $0xFFFFD800  }
0x11: {  	[tilespmem:s6], [sflag:$0x5] =	stream.linear.gather [hbm4b:s8+s4], $0x2800, $0x38;
	[tilespmem:$0x104A0] =	vst v63  }
0x12: {  	s25 =	sshll.u32 s9, $0x1;
	s1 =	sand.u32 $0x1, s24;
	_ =	swait.ge [sflag:s5], $0x2800  }
0x13: {  	s0 =	sor.u32 s1, s25;
	[sflag:s5] =	ssyncset.done $0x0  }
0x14: {  	s9 =	sadd.s32 s31, s3;
	s0 =	smul.u32 $0x2710, s0;
	[sflag:s5] =	ssyncadd.s32 $0xFFFFD800  }
0x15: {  	[spmem:s9] =	stream.linear.scatter [tilespmem:s6], [sflag:$0x5], $0x2800, $0x38;
	[tilespmem:$0x104A0] =	vst v63  }
0x16: {  	s12 =	simm.s32 $0x4E200;
	_ =	swait.ge [sflag:s5], $0x2800  }
0x17: {  	s30 =	sadd.s32 $0x1000, s10;
	s26 =	sshrl.u32 s0, $0x3;
	[sflag:s5] =	ssyncset.done $0x0  }
0x18: {  	s11 =	sadd.s32 $0x3E8, s0;
	s10 =	sadd.s32 s30, s26;
	[sflag:s5] =	ssyncadd.s32 $0xFFFFD800  }
0x19: {  	s13 =	sshrl.u32 s11, $0x3;
	s11 =	simm.s32 $0x3E8;
	[bflag:$0x0] =	sbarrier.arrive $0xFFFF  }
0x1a: {  	[tilespmem:s4], [sflag:$0x1] =	stream.strided.gather [hbm4b:s10+s11], $0x7D0, s12, s11, $0x38;
	[tilespmem:$0x104A0] =	vst v63  }
0x1b: {  	s14 =	simm.s32 $0x7D0;
	s15 =	simm.s32 $0x1;
	s13 =	sadd.s32 s30, s13  }
0x1c: {  	[tilespmem:s14], [sflag:$0x2] =	stream.strided.gather [hbm4b:s13+s11], $0x7D0, s12, s11, $0x38;
	[tilespmem:$0x104A0] =	vst v63  }
0x1d: {  	_ =	swait.ge [sflag:s15], $0x7D0  }
0x1e: {  	[sflag:s15] =	ssyncset.done $0x0  }
0x1f: {  	s16 =	simm.s32 $0xFA0;
	s17 =	simm.s32 $0x2;
	[sflag:s15] =	ssyncadd.s32 $0xFFFFF830  }
0x20: {  	[tilespmem:s16], [sflag:$0x3] =	stream.indirect.gather [spmem:s2], $0x10, s4, s11, $0xb8;
	[tilespmem:$0x104A0] =	vst v63  }
0x21: {  	_ =	swait.ge [sflag:s17], $0x7D0  }
0x22: {  	[sflag:s17] =	ssyncset.done $0x0  }
0x23: {  	s18 =	simm.s32 $0x4E20;
	s19 =	simm.s32 $0x3;
	[sflag:s17] =	ssyncadd.s32 $0xFFFFF830  }
0x24: {  	[tilespmem:s18], [sflag:$0x4] =	stream.indirect.gather [spmem:s2], $0x10, s14, s11, $0xb8;
	[tilespmem:$0x104A0] =	vst v63  }
0x25: {  	_ =	swait.ge [sflag:s19], $0x3E80  }
0x26: {  	[sflag:s19] =	ssyncset.done $0x0  }
0x27: {  	[sflag:s19] =	ssyncadd.s32 $0xFFFFC180  }
0x28: {  	[spmem:s3] =	stream.indirect.scatter.add.f32 [tilespmem:s16], [sflag:$0x5], $0x10, s11, s11, $0xb8;
	[tilespmem:$0x104A0] =	vst v63  }
0x29: {  	_ =	swait.ge [sflag:s5], $0x3E80  }
0x2a: {  	[sflag:s5] =	ssyncset.done $0x0  }
0x2b: {  	s21 =	simm.s32 $0x4;
	s20 =	sadd.s32 $0xFA, s10;
	[sflag:s5] =	ssyncadd.s32 $0xFFFFC180  }
0x2c: {  	[tilespmem:s4], [sflag:$0x1] =	stream.strided.gather [hbm4b:s20+s11], $0x7D0, s12, s11, $0x38;
	[tilespmem:$0x104A0] =	vst v63  }
0x2d: {  	_ =	swait.ge [sflag:s21], $0x3E80  }
0x2e: {  	[sflag:s21] =	ssyncset.done $0x0  }
0x2f: {  	s22 =	simm.s32 $0xBB8;
	[sflag:s21] =	ssyncadd.s32 $0xFFFFC180  }
0x30: {  	[spmem:s3] =	stream.indirect.scatter.add.f32 [tilespmem:s18], [sflag:$0x5], $0x10, s22, s11, $0xb8;
	[tilespmem:$0x104A0] =	vst v63  }
0x31: {  	s23 =	sadd.s32 $0xBB8, s0;
	_ =	swait.ge [sflag:s5], $0x3E80  }
0x32: {  	s23 =	sshrl.u32 s23, $0x3;
	[sflag:s5] =	ssyncset.done $0x0  }
0x33: {  	s23 =	sadd.s32 s30, s23;
	[sflag:s5] =	ssyncadd.s32 $0xFFFFC180  }
0x34: {  	[tilespmem:s14], [sflag:$0x2] =	stream.strided.gather [hbm4b:s23+s11], $0x7D0, s12, s11, $0x38;
	[tilespmem:$0x104A0] =	vst v63  }
0x35: {  	_ =	swait.ge [sflag:s15], $0x7D0  }
0x36: {  	[sflag:s15] =	ssyncset.done $0x0  }
0x37: {  	[sflag:s15] =	ssyncadd.s32 $0xFFFFF830  }
0x38: {  	[tilespmem:s16], [sflag:$0x3] =	stream.indirect.gather [spmem:s2], $0x10, s4, s11, $0xb8;
	[tilespmem:$0x104A0] =	vst v63  }
0x39: {  	_ =	swait.ge [sflag:s17], $0x7D0  }
0x3a: {  	[sflag:s17] =	ssyncset.done $0x0  }
0x3b: {  	[sflag:s17] =	ssyncadd.s32 $0xFFFFF830  }
0x3c: {  	[tilespmem:s18], [sflag:$0x4] =	stream.indirect.gather [spmem:s2], $0x10, s14, s11, $0xb8;
	[tilespmem:$0x104A0] =	vst v63  }
0x3d: {  	_ =	swait.ge [sflag:s19], $0x3E80  }
0x3e: {  	[sflag:s19] =	ssyncset.done $0x0  }
0x3f: {  	[sflag:s19] =	ssyncadd.s32 $0xFFFFC180  }
0x40: {  	[spmem:s3] =	stream.indirect.scatter.add.f32 [tilespmem:s16], [sflag:$0x5], $0x10, s11, s11, $0xb8;
	[tilespmem:$0x104A0] =	vst v63  }
0x41: {  	_ =	swait.ge [sflag:s5], $0x3E80  }
0x42: {  	[sflag:s5] =	ssyncset.done $0x0  }
0x43: {  	s24 =	sadd.s32 $0x1F4, s10;
	[sflag:s5] =	ssyncadd.s32 $0xFFFFC180  }
0x44: {  	[tilespmem:s4], [sflag:$0x1] =	stream.strided.gather [hbm4b:s24+s11], $0x7D0, s12, s11, $0x38;
	[tilespmem:$0x104A0] =	vst v63  }
0x45: {  	_ =	swait.ge [sflag:s21], $0x3E80  }
0x46: {  	[sflag:s21] =	ssyncset.done $0x0  }
0x47: {  	[sflag:s21] =	ssyncadd.s32 $0xFFFFC180  }
0x48: {  	[spmem:s3] =	stream.indirect.scatter.add.f32 [tilespmem:s18], [sflag:$0x5], $0x10, s22, s11, $0xb8;
	[tilespmem:$0x104A0] =	vst v63  }
0x49: {  	s25 =	sadd.s32 $0x1388, s0;
	_ =	swait.ge [sflag:s5], $0x3E80  }
0x4a: {  	s25 =	sshrl.u32 s25, $0x3;
	[sflag:s5] =	ssyncset.done $0x0  }
0x4b: {  	s25 =	sadd.s32 s30, s25;
	[sflag:s5] =	ssyncadd.s32 $0xFFFFC180  }
0x4c: {  	[tilespmem:s14], [sflag:$0x2] =	stream.strided.gather [hbm4b:s25+s11], $0x7D0, s12, s11, $0x38;
	[tilespmem:$0x104A0] =	vst v63  }
0x4d: {  	_ =	swait.ge [sflag:s15], $0x7D0  }
0x4e: {  	[sflag:s15] =	ssyncset.done $0x0  }
0x4f: {  	[sflag:s15] =	ssyncadd.s32 $0xFFFFF830  }
0x50: {  	[tilespmem:s16], [sflag:$0x3] =	stream.indirect.gather [spmem:s2], $0x10, s4, s11, $0xb8;
	[tilespmem:$0x104A0] =	vst v63  }
0x51: {  	_ =	swait.ge [sflag:s17], $0x7D0  }
0x52: {  	[sflag:s17] =	ssyncset.done $0x0  }
0x53: {  	[sflag:s17] =	ssyncadd.s32 $0xFFFFF830  }
0x54: {  	[tilespmem:s18], [sflag:$0x4] =	stream.indirect.gather [spmem:s2], $0x10, s14, s11, $0xb8;
	[tilespmem:$0x104A0] =	vst v63  }
0x55: {  	_ =	swait.ge [sflag:s19], $0x3E80  }
0x56: {  	[sflag:s19] =	ssyncset.done $0x0  }
0x57: {  	[sflag:s19] =	ssyncadd.s32 $0xFFFFC180  }
0x58: {  	[spmem:s3] =	stream.indirect.scatter.add.f32 [tilespmem:s16], [sflag:$0x5], $0x10, s11, s11, $0xb8;
	[tilespmem:$0x104A0] =	vst v63  }
0x59: {  	_ =	swait.ge [sflag:s5], $0x3E80  }
0x5a: {  	[sflag:s5] =	ssyncset.done $0x0  }
0x5b: {  	s26 =	sadd.s32 $0x2EE, s10;
	[sflag:s5] =	ssyncadd.s32 $0xFFFFC180  }
0x5c: {  	[tilespmem:s4], [sflag:$0x1] =	stream.strided.gather [hbm4b:s26+s11], $0x7D0, s12, s11, $0x38;
	[tilespmem:$0x104A0] =	vst v63  }
0x5d: {  	_ =	swait.ge [sflag:s21], $0x3E80  }
0x5e: {  	[sflag:s21] =	ssyncset.done $0x0  }
0x5f: {  	[sflag:s21] =	ssyncadd.s32 $0xFFFFC180  }
0x60: {  	[spmem:s3] =	stream.indirect.scatter.add.f32 [tilespmem:s18], [sflag:$0x5], $0x10, s22, s11, $0xb8;
	[tilespmem:$0x104A0] =	vst v63  }
0x61: {  	s28 =	sadd.s32 $0x1B58, s0;
	_ =	swait.ge [sflag:s5], $0x3E80  }
0x62: {  	s28 =	sshrl.u32 s28, $0x3;
	[sflag:s5] =	ssyncset.done $0x0  }
0x63: {  	s28 =	sadd.s32 s30, s28;
	[sflag:s5] =	ssyncadd.s32 $0xFFFFC180  }
0x64: {  	[tilespmem:s14], [sflag:$0x2] =	stream.strided.gather [hbm4b:s28+s11], $0x7D0, s12, s11, $0x38;
	[tilespmem:$0x104A0] =	vst v63  }
0x65: {  	_ =	swait.ge [sflag:s15], $0x7D0  }
0x66: {  	[sflag:s15] =	ssyncset.done $0x0  }
0x67: {  	[sflag:s15] =	ssyncadd.s32 $0xFFFFF830  }
0x68: {  	[tilespmem:s16], [sflag:$0x3] =	stream.indirect.gather [spmem:s2], $0x10, s4, s11, $0xb8;
	[tilespmem:$0x104A0] =	vst v63  }
0x69: {  	_ =	swait.ge [sflag:s17], $0x7D0  }
0x6a: {  	[sflag:s17] =	ssyncset.done $0x0  }
0x6b: {  	[sflag:s17] =	ssyncadd.s32 $0xFFFFF830  }
0x6c: {  	[tilespmem:s18], [sflag:$0x4] =	stream.indirect.gather [spmem:s2], $0x10, s14, s11, $0xb8;
	[tilespmem:$0x104A0] =	vst v63  }
0x6d: {  	_ =	swait.ge [sflag:s19], $0x3E80  }
0x6e: {  	[sflag:s19] =	ssyncset.done $0x0  }
0x6f: {  	[sflag:s19] =	ssyncadd.s32 $0xFFFFC180  }
0x70: {  	[spmem:s3] =	stream.indirect.scatter.add.f32 [tilespmem:s16], [sflag:$0x5], $0x10, s11, s11, $0xb8;
	[tilespmem:$0x104A0] =	vst v63  }
0x71: {  	_ =	swait.ge [sflag:s5], $0x3E80  }
0x72: {  	[sflag:s5] =	ssyncset.done $0x0  }
0x73: {  	s29 =	sadd.s32 $0x3E8, s10;
	[sflag:s5] =	ssyncadd.s32 $0xFFFFC180  }
0x74: {  	[tilespmem:s4], [sflag:$0x1] =	stream.strided.gather [hbm4b:s29+s11], $0x7D0, s12, s11, $0x38;
	[tilespmem:$0x104A0] =	vst v63  }
0x75: {  	_ =	swait.ge [sflag:s21], $0x3E80  }
0x76: {  	[sflag:s21] =	ssyncset.done $0x0  }
0x77: {  	[sflag:s21] =	ssyncadd.s32 $0xFFFFC180  }
0x78: {  	[spmem:s3] =	stream.indirect.scatter.add.f32 [tilespmem:s18], [sflag:$0x5], $0x10, s22, s11, $0xb8;
	[tilespmem:$0x104A0] =	vst v63  }
0x79: {  	s0 =	sadd.s32 $0x2328, s0;
	_ =	swait.ge [sflag:s5], $0x3E80  }
0x7a: {  	s0 =	sshrl.u32 s0, $0x3;
	[sflag:s5] =	ssyncset.done $0x0  }
0x7b: {  	s30 =	sadd.s32 s30, s0;
	[sflag:s5] =	ssyncadd.s32 $0xFFFFC180  }
0x7c: {  	[tilespmem:s14], [sflag:$0x2] =	stream.strided.gather [hbm4b:s30+s11], $0x7D0, s12, s11, $0x38;
	[tilespmem:$0x104A0] =	vst v63  }
0x7d: {  	_ =	swait.ge [sflag:s15], $0x7D0  }
0x7e: {  	[sflag:s15] =	ssyncset.done $0x0  }
0x7f: {  	[sflag:s15] =	ssyncadd.s32 $0xFFFFF830  }
0x80: {  	[tilespmem:s16], [sflag:$0x3] =	stream.indirect.gather [spmem:s2], $0x10, s4, s11, $0xb8;
	[tilespmem:$0x104A0] =	vst v63  }
0x81: {  	_ =	swait.ge [sflag:s17], $0x7D0  }
0x82: {  	[sflag:s17] =	ssyncset.done $0x0  }
0x83: {  	[sflag:s17] =	ssyncadd.s32 $0xFFFFF830  }
0x84: {  	[tilespmem:s18], [sflag:$0x4] =	stream.indirect.gather [spmem:s2], $0x10, s14, s11, $0xb8;
	[tilespmem:$0x104A0] =	vst v63  }
0x85: {  	_ =	swait.ge [sflag:s19], $0x3E80  }
0x86: {  	[sflag:s19] =	ssyncset.done $0x0  }
0x87: {  	[sflag:s19] =	ssyncadd.s32 $0xFFFFC180  }
0x88: {  	[spmem:s3] =	stream.indirect.scatter.add.f32 [tilespmem:s16], [sflag:$0x5], $0x10, s11, s11, $0xb8;
	[tilespmem:$0x104A0] =	vst v63  }
0x89: {  	_ =	swait.ge [sflag:s5], $0x3E80  }
0x8a: {  	[sflag:s5] =	ssyncset.done $0x0  }
0x8b: {  	[sflag:s5] =	ssyncadd.s32 $0xFFFFC180  }
0x8c: {  	_ =	swait.ge [sflag:s21], $0x3E80  }
0x8d: {  	[sflag:s21] =	ssyncset.done $0x0  }
0x8e: {  	[sflag:s21] =	ssyncadd.s32 $0xFFFFC180  }
0x8f: {  	[spmem:s3] =	stream.indirect.scatter.add.f32 [tilespmem:s18], [sflag:$0x5], $0x10, s22, s11, $0xb8;
	[tilespmem:$0x104A0] =	vst v63  }
0x90: {  	s0 =	smul.u32 $0x28000, s1;
	_ =	swait.ge [sflag:s5], $0x3E80  }
0x91: {  	[sflag:s5] =	ssyncset.done $0x0  }
0x92: {  	s0 =	sadd.s32 s31, s0;
	[sflag:s5] =	ssyncadd.s32 $0xFFFFC180  }
0x93: {  	s1 =	ssub.s32 $0x2, s1;
	s0 =	sshrl.u32 s0, $0x3;
	[bflag:$0x0] =	sbarrier.arrive $0xFFFF  }
0x94: {  	[tilespmem:s6], [sflag:$0x5] =	stream.linear.gather [spmem:s9], $0x2800, $0x38;
	[tilespmem:$0x104A0] =	vst v63  }
0x95: {  	[dreg:$0x5] =	wrdreg s0;
	s0 =	sshrl.u32 s1, $0x1  }
0x96: {  	_ =	swait.ge [sflag:s5], $0x2800;
	[dreg:$0x6] =	wrdreg s0  }
0x97: {  	s0 =	rddreg [dreg:$0x0]  }
0x98: {  	s31 =	rddreg [dreg:$0x5]  }
0x99: {  	s0 =	sadd.s32 s31, s0;
	s31 =	rddreg [dreg:$0x6]  }
0x9a: {  	s1 =	ssub.s32 s1, s31  }
0x9b: {  	s1 =	smax.u32 s1, $0x1  }
0x9c: {  	p0 =	sne.s32 s1, $0x1  }
.Ltmp0:
0x9d: {  	_ = 	snop;
	(pc) =	sbr.rel @!p0 .LBB2_2-.Ltmp0, $4  }
0x9e: {  	[sflag:s5] =	ssyncset.done $0x0  }
0x9f: {  	[sflag:s5] =	ssyncadd.s32 $0xFFFFD800;
	s31 =	sadd.s32 $0x1EA00, s0  }
0xa0: {  	[hbm4b:s31+s4] =	stream.linear.scatter [tilespmem:s6], [sflag:$0x5], $0x2800, $0x38;
	[tilespmem:$0x104A0] =	vst v63  }
0xa1: {  	s1 =	sadd.s32 $0xFFFFFFFF, s1;
	_ =	swait.ge [sflag:s5], $0x2800  }
.LBB2_1:
0xa2: {  	[sflag:s5] =	ssyncset.done $0x0  }
0xa3: {  	s0 =	rddreg [dreg:$0x4];
	[sflag:s5] =	ssyncadd.s32 $0xFFFFD800  }
0xa4: {  	[tilespmem:s6], [sflag:$0x5] =	stream.linear.gather [hbm4b:s0+s4], $0x2800, $0x38;
	[tilespmem:$0x104A0] =	vst v63  }
0xa5: {  	_ =	swait.ge [sflag:s5], $0x2800  }
0xa6: {  	[sflag:s5] =	ssyncset.done $0x0  }
0xa7: {  	[sflag:s5] =	ssyncadd.s32 $0xFFFFD800  }
0xa8: {  	[spmem:s7] =	stream.linear.scatter [tilespmem:s6], [sflag:$0x5], $0x2800, $0x38;
	[tilespmem:$0x104A0] =	vst v63  }
0xa9: {  	_ =	swait.ge [sflag:s5], $0x2800  }
0xaa: {  	[sflag:s5] =	ssyncset.done $0x0  }
0xab: {  	[sflag:s5] =	ssyncadd.s32 $0xFFFFD800  }
0xac: {  	[tilespmem:s6], [sflag:$0x5] =	stream.linear.gather [hbm4b:s8+s4], $0x2800, $0x38;
	[tilespmem:$0x104A0] =	vst v63  }
0xad: {  	_ =	swait.ge [sflag:s5], $0x2800  }
0xae: {  	[sflag:s5] =	ssyncset.done $0x0  }
0xaf: {  	[sflag:s5] =	ssyncadd.s32 $0xFFFFD800  }
0xb0: {  	[spmem:s9] =	stream.linear.scatter [tilespmem:s6], [sflag:$0x5], $0x2800, $0x38;
	[tilespmem:$0x104A0] =	vst v63  }
0xb1: {  	_ =	swait.ge [sflag:s5], $0x2800  }
0xb2: {  	[sflag:s5] =	ssyncset.done $0x0  }
0xb3: {  	[sflag:s5] =	ssyncadd.s32 $0xFFFFD800  }
0xb4: {  	[bflag:$0x0] =	sbarrier.arrive $0xFFFF  }
0xb5: {  	[tilespmem:s4], [sflag:$0x1] =	stream.strided.gather [hbm4b:s10+s11], $0x7D0, s12, s11, $0x38;
	[tilespmem:$0x104A0] =	vst v63  }
0xb6: {  	_ = 	snop  }
0xb7: {  	[tilespmem:s14], [sflag:$0x2] =	stream.strided.gather [hbm4b:s13+s11], $0x7D0, s12, s11, $0x38;
	[tilespmem:$0x104A0] =	vst v63  }
0xb8: {  	_ =	swait.ge [sflag:s15], $0x7D0  }
0xb9: {  	[sflag:s15] =	ssyncset.done $0x0  }
0xba: {  	[sflag:s15] =	ssyncadd.s32 $0xFFFFF830  }
0xbb: {  	[tilespmem:s16], [sflag:$0x3] =	stream.indirect.gather [spmem:s2], $0x10, s4, s11, $0xb8;
	[tilespmem:$0x104A0] =	vst v63  }
0xbc: {  	_ =	swait.ge [sflag:s17], $0x7D0  }
0xbd: {  	[sflag:s17] =	ssyncset.done $0x0  }
0xbe: {  	[sflag:s17] =	ssyncadd.s32 $0xFFFFF830  }
0xbf: {  	[tilespmem:s18], [sflag:$0x4] =	stream.indirect.gather [spmem:s2], $0x10, s14, s11, $0xb8;
	[tilespmem:$0x104A0] =	vst v63  }
0xc0: {  	_ =	swait.ge [sflag:s19], $0x3E80  }
0xc1: {  	[sflag:s19] =	ssyncset.done $0x0  }
0xc2: {  	[sflag:s19] =	ssyncadd.s32 $0xFFFFC180  }
0xc3: {  	[spmem:s3] =	stream.indirect.scatter.add.f32 [tilespmem:s16], [sflag:$0x5], $0x10, s11, s11, $0xb8;
	[tilespmem:$0x104A0] =	vst v63  }
0xc4: {  	_ =	swait.ge [sflag:s5], $0x3E80  }
0xc5: {  	[sflag:s5] =	ssyncset.done $0x0  }
0xc6: {  	[sflag:s5] =	ssyncadd.s32 $0xFFFFC180  }
0xc7: {  	[tilespmem:s4], [sflag:$0x1] =	stream.strided.gather [hbm4b:s20+s11], $0x7D0, s12, s11, $0x38;
	[tilespmem:$0x104A0] =	vst v63  }
0xc8: {  	_ =	swait.ge [sflag:s21], $0x3E80  }
0xc9: {  	[sflag:s21] =	ssyncset.done $0x0  }
0xca: {  	[sflag:s21] =	ssyncadd.s32 $0xFFFFC180  }
0xcb: {  	[spmem:s3] =	stream.indirect.scatter.add.f32 [tilespmem:s18], [sflag:$0x5], $0x10, s22, s11, $0xb8;
	[tilespmem:$0x104A0] =	vst v63  }
0xcc: {  	_ =	swait.ge [sflag:s5], $0x3E80  }
0xcd: {  	[sflag:s5] =	ssyncset.done $0x0  }
0xce: {  	[sflag:s5] =	ssyncadd.s32 $0xFFFFC180  }
0xcf: {  	[tilespmem:s14], [sflag:$0x2] =	stream.strided.gather [hbm4b:s23+s11], $0x7D0, s12, s11, $0x38;
	[tilespmem:$0x104A0] =	vst v63  }
0xd0: {  	_ =	swait.ge [sflag:s15], $0x7D0  }
0xd1: {  	[sflag:s15] =	ssyncset.done $0x0  }
0xd2: {  	[sflag:s15] =	ssyncadd.s32 $0xFFFFF830  }
0xd3: {  	[tilespmem:s16], [sflag:$0x3] =	stream.indirect.gather [spmem:s2], $0x10, s4, s11, $0xb8;
	[tilespmem:$0x104A0] =	vst v63  }
0xd4: {  	_ =	swait.ge [sflag:s17], $0x7D0  }
0xd5: {  	[sflag:s17] =	ssyncset.done $0x0  }
0xd6: {  	[sflag:s17] =	ssyncadd.s32 $0xFFFFF830  }
0xd7: {  	[tilespmem:s18], [sflag:$0x4] =	stream.indirect.gather [spmem:s2], $0x10, s14, s11, $0xb8;
	[tilespmem:$0x104A0] =	vst v63  }
0xd8: {  	_ =	swait.ge [sflag:s19], $0x3E80  }
0xd9: {  	[sflag:s19] =	ssyncset.done $0x0  }
0xda: {  	[sflag:s19] =	ssyncadd.s32 $0xFFFFC180  }
0xdb: {  	[spmem:s3] =	stream.indirect.scatter.add.f32 [tilespmem:s16], [sflag:$0x5], $0x10, s11, s11, $0xb8;
	[tilespmem:$0x104A0] =	vst v63  }
0xdc: {  	_ =	swait.ge [sflag:s5], $0x3E80  }
0xdd: {  	[sflag:s5] =	ssyncset.done $0x0  }
0xde: {  	[sflag:s5] =	ssyncadd.s32 $0xFFFFC180  }
0xdf: {  	[tilespmem:s4], [sflag:$0x1] =	stream.strided.gather [hbm4b:s24+s11], $0x7D0, s12, s11, $0x38;
	[tilespmem:$0x104A0] =	vst v63  }
0xe0: {  	_ =	swait.ge [sflag:s21], $0x3E80  }
0xe1: {  	[sflag:s21] =	ssyncset.done $0x0  }
0xe2: {  	[sflag:s21] =	ssyncadd.s32 $0xFFFFC180  }
0xe3: {  	[spmem:s3] =	stream.indirect.scatter.add.f32 [tilespmem:s18], [sflag:$0x5], $0x10, s22, s11, $0xb8;
	[tilespmem:$0x104A0] =	vst v63  }
0xe4: {  	_ =	swait.ge [sflag:s5], $0x3E80  }
0xe5: {  	[sflag:s5] =	ssyncset.done $0x0  }
0xe6: {  	[sflag:s5] =	ssyncadd.s32 $0xFFFFC180  }
0xe7: {  	[tilespmem:s14], [sflag:$0x2] =	stream.strided.gather [hbm4b:s25+s11], $0x7D0, s12, s11, $0x38;
	[tilespmem:$0x104A0] =	vst v63  }
0xe8: {  	_ =	swait.ge [sflag:s15], $0x7D0  }
0xe9: {  	[sflag:s15] =	ssyncset.done $0x0  }
0xea: {  	[sflag:s15] =	ssyncadd.s32 $0xFFFFF830  }
0xeb: {  	[tilespmem:s16], [sflag:$0x3] =	stream.indirect.gather [spmem:s2], $0x10, s4, s11, $0xb8;
	[tilespmem:$0x104A0] =	vst v63  }
0xec: {  	_ =	swait.ge [sflag:s17], $0x7D0  }
0xed: {  	[sflag:s17] =	ssyncset.done $0x0  }
0xee: {  	[sflag:s17] =	ssyncadd.s32 $0xFFFFF830  }
0xef: {  	[tilespmem:s18], [sflag:$0x4] =	stream.indirect.gather [spmem:s2], $0x10, s14, s11, $0xb8;
	[tilespmem:$0x104A0] =	vst v63  }
0xf0: {  	_ =	swait.ge [sflag:s19], $0x3E80  }
0xf1: {  	[sflag:s19] =	ssyncset.done $0x0  }
0xf2: {  	[sflag:s19] =	ssyncadd.s32 $0xFFFFC180  }
0xf3: {  	[spmem:s3] =	stream.indirect.scatter.add.f32 [tilespmem:s16], [sflag:$0x5], $0x10, s11, s11, $0xb8;
	[tilespmem:$0x104A0] =	vst v63  }
0xf4: {  	_ =	swait.ge [sflag:s5], $0x3E80  }
0xf5: {  	[sflag:s5] =	ssyncset.done $0x0  }
0xf6: {  	[sflag:s5] =	ssyncadd.s32 $0xFFFFC180  }
0xf7: {  	[tilespmem:s4], [sflag:$0x1] =	stream.strided.gather [hbm4b:s26+s11], $0x7D0, s12, s11, $0x38;
	[tilespmem:$0x104A0] =	vst v63  }
0xf8: {  	_ =	swait.ge [sflag:s21], $0x3E80  }
0xf9: {  	[sflag:s21] =	ssyncset.done $0x0  }
0xfa: {  	[sflag:s21] =	ssyncadd.s32 $0xFFFFC180  }
0xfb: {  	[spmem:s3] =	stream.indirect.scatter.add.f32 [tilespmem:s18], [sflag:$0x5], $0x10, s22, s11, $0xb8;
	[tilespmem:$0x104A0] =	vst v63  }
0xfc: {  	_ =	swait.ge [sflag:s5], $0x3E80  }
0xfd: {  	[sflag:s5] =	ssyncset.done $0x0  }
0xfe: {  	[sflag:s5] =	ssyncadd.s32 $0xFFFFC180  }
0xff: {  	[tilespmem:s14], [sflag:$0x2] =	stream.strided.gather [hbm4b:s28+s11], $0x7D0, s12, s11, $0x38;
	[tilespmem:$0x104A0] =	vst v63  }
0x100: {  	_ =	swait.ge [sflag:s15], $0x7D0  }
0x101: {  	[sflag:s15] =	ssyncset.done $0x0  }
0x102: {  	[sflag:s15] =	ssyncadd.s32 $0xFFFFF830  }
0x103: {  	[tilespmem:s16], [sflag:$0x3] =	stream.indirect.gather [spmem:s2], $0x10, s4, s11, $0xb8;
	[tilespmem:$0x104A0] =	vst v63  }
0x104: {  	_ =	swait.ge [sflag:s17], $0x7D0  }
0x105: {  	[sflag:s17] =	ssyncset.done $0x0  }
0x106: {  	[sflag:s17] =	ssyncadd.s32 $0xFFFFF830  }
0x107: {  	[tilespmem:s18], [sflag:$0x4] =	stream.indirect.gather [spmem:s2], $0x10, s14, s11, $0xb8;
	[tilespmem:$0x104A0] =	vst v63  }
0x108: {  	_ =	swait.ge [sflag:s19], $0x3E80  }
0x109: {  	[sflag:s19] =	ssyncset.done $0x0  }
0x10a: {  	[sflag:s19] =	ssyncadd.s32 $0xFFFFC180  }
0x10b: {  	[spmem:s3] =	stream.indirect.scatter.add.f32 [tilespmem:s16], [sflag:$0x5], $0x10, s11, s11, $0xb8;
	[tilespmem:$0x104A0] =	vst v63  }
0x10c: {  	_ =	swait.ge [sflag:s5], $0x3E80  }
0x10d: {  	[sflag:s5] =	ssyncset.done $0x0  }
0x10e: {  	[sflag:s5] =	ssyncadd.s32 $0xFFFFC180  }
0x10f: {  	[tilespmem:s4], [sflag:$0x1] =	stream.strided.gather [hbm4b:s29+s11], $0x7D0, s12, s11, $0x38;
	[tilespmem:$0x104A0] =	vst v63  }
0x110: {  	_ =	swait.ge [sflag:s21], $0x3E80  }
0x111: {  	[sflag:s21] =	ssyncset.done $0x0  }
0x112: {  	[sflag:s21] =	ssyncadd.s32 $0xFFFFC180  }
0x113: {  	[spmem:s3] =	stream.indirect.scatter.add.f32 [tilespmem:s18], [sflag:$0x5], $0x10, s22, s11, $0xb8;
	[tilespmem:$0x104A0] =	vst v63  }
0x114: {  	_ =	swait.ge [sflag:s5], $0x3E80  }
0x115: {  	[sflag:s5] =	ssyncset.done $0x0  }
0x116: {  	[sflag:s5] =	ssyncadd.s32 $0xFFFFC180  }
0x117: {  	[tilespmem:s14], [sflag:$0x2] =	stream.strided.gather [hbm4b:s30+s11], $0x7D0, s12, s11, $0x38;
	[tilespmem:$0x104A0] =	vst v63  }
0x118: {  	_ =	swait.ge [sflag:s15], $0x7D0  }
0x119: {  	[sflag:s15] =	ssyncset.done $0x0  }
0x11a: {  	[sflag:s15] =	ssyncadd.s32 $0xFFFFF830  }
0x11b: {  	[tilespmem:s16], [sflag:$0x3] =	stream.indirect.gather [spmem:s2], $0x10, s4, s11, $0xb8;
	[tilespmem:$0x104A0] =	vst v63  }
0x11c: {  	_ =	swait.ge [sflag:s17], $0x7D0  }
0x11d: {  	[sflag:s17] =	ssyncset.done $0x0  }
0x11e: {  	[sflag:s17] =	ssyncadd.s32 $0xFFFFF830  }
0x11f: {  	[tilespmem:s18], [sflag:$0x4] =	stream.indirect.gather [spmem:s2], $0x10, s14, s11, $0xb8;
	[tilespmem:$0x104A0] =	vst v63  }
0x120: {  	_ =	swait.ge [sflag:s19], $0x3E80  }
0x121: {  	[sflag:s19] =	ssyncset.done $0x0  }
0x122: {  	[sflag:s19] =	ssyncadd.s32 $0xFFFFC180  }
0x123: {  	[spmem:s3] =	stream.indirect.scatter.add.f32 [tilespmem:s16], [sflag:$0x5], $0x10, s11, s11, $0xb8;
	[tilespmem:$0x104A0] =	vst v63  }
0x124: {  	_ =	swait.ge [sflag:s5], $0x3E80  }
0x125: {  	[sflag:s5] =	ssyncset.done $0x0  }
0x126: {  	[sflag:s5] =	ssyncadd.s32 $0xFFFFC180  }
0x127: {  	_ =	swait.ge [sflag:s21], $0x3E80  }
0x128: {  	[sflag:s21] =	ssyncset.done $0x0  }
0x129: {  	[sflag:s21] =	ssyncadd.s32 $0xFFFFC180  }
0x12a: {  	[spmem:s3] =	stream.indirect.scatter.add.f32 [tilespmem:s18], [sflag:$0x5], $0x10, s22, s11, $0xb8;
	[tilespmem:$0x104A0] =	vst v63  }
0x12b: {  	_ =	swait.ge [sflag:s5], $0x3E80  }
0x12c: {  	[sflag:s5] =	ssyncset.done $0x0  }
0x12d: {  	[sflag:s5] =	ssyncadd.s32 $0xFFFFC180  }
0x12e: {  	p0 =	sne.s32 s1, $0x1;
	[bflag:$0x0] =	sbarrier.arrive $0xFFFF  }
0x12f: {  	[tilespmem:s6], [sflag:$0x5] =	stream.linear.gather [spmem:s9], $0x2800, $0x38;
	[tilespmem:$0x104A0] =	vst v63  }
.Ltmp1:
0x130: {  	_ =	swait.ge [sflag:s5], $0x2800;
	(pc) =	sbr.rel @p0 .LBB2_1-.Ltmp1, $4  }
0x131: {  	[sflag:s5] =	ssyncset.done $0x0  }
0x132: {  	[sflag:s5] =	ssyncadd.s32 $0xFFFFD800  }
0x133: {  	[hbm4b:s31+s4] =	stream.linear.scatter [tilespmem:s6], [sflag:$0x5], $0x2800, $0x38;
	[tilespmem:$0x104A0] =	vst v63  }
0x134: {  	s1 =	sadd.s32 $0xFFFFFFFF, s1;
	_ =	swait.ge [sflag:s5], $0x2800  }
.LBB2_2:
0x135: {  	[sflag:s5] =	ssyncset.done $0x0  }
0x136: {  	[sflag:s5] =	ssyncadd.s32 $0xFFFFD800  }
0x137: {  	_ =	sfence.sel $0x180000  }
0x138: {  	[bflag:$0x0] =	sbarrier.arrive $0xFFFF  }
0x139: {  	_ =	strace $0x90000047  }
0x13a: {  	s0 =	stileid.u32;
	[bflag:$0x2] =	sbarrier.arrive $0xFFFF  }
0x13b: {  	p0 =	sne.s32 s0, $0x0;
	s0 =	rddreg [dreg:$0x3]  }
0x13c: {  	s0 =	sadd.s32 @!p0 $0x100000, s0  }
0x13d: {  	[sflag:s0] =	ssyncadd.tile.s32 @!p0 $0x1;
	_ =	shalt  }
.Lfunc_end2:
_tile_overlayer_lowered:
.L_overlay_start_2:
0x13e: {  	(tag) =	ssettag $0x2  }
0x13f: {  	s0 =	rddreg [dreg:$0x0];
	s2 =	stileid.u32  }
0x140: {  	s1 =	rddreg [dreg:$0x1];
	p0 =	sne.s32 s2, $0x0  }
0x141: {  	s3 =	rddreg [dreg:$0x2];
	[bflag:$0x3] =	sbarrier.arrive $0xFFFF;
	s2 =	simm.s32 @!p0 $0x1C05  }
0x142: {  	[timem:s3], [sflag:s2] =	dma.local @!p0 [hbm:s0], s1  }
0x143: {  	s0 =	simm.s32 @!p0 $0x5  }
0x144: {  	_ =	swait.ge @!p0 [sflag:s0], s1  }
0x145: {  	s1 =	ssub.s32 @!p0 $0x0, s1;
	[sflag:s0] =	ssyncset.done @!p0 $0x0  }
0x146: {  	[sflag:s0] =	ssyncadd.s32 @!p0 s1  }
0x147: {  	[bflag:$0x3] =	sbarrier.arrive $0xFFFF  }
0x148: {  	_ =	shalt  }

</sc_bundles>
